<compile_context>
chip_gen: v7x
topology: tpu7x:2x2x1
jax: 0.10.2.dev20260603
libtpu: 0.0.44.dev20260713+nightly
codegen_flags: <defaults>
</compile_context>

<pallas_src>
import jax
import jax.numpy as jnp
from jax import lax
from jax.experimental import pallas as pl
from jax.experimental.pallas import tpu as pltpu
from jax.experimental.pallas import tpu_sc as plsc

N = 100000
D_IN = 256
D_OUT = 256
G = 512
BN = 2000
GRID = N // BN
NC = 2
NS = 16
CH = 120
ROWS_PER_TILE = 6240
NCHUNK = ROWS_PER_TILE // CH
TAIL0 = NS * ROWS_PER_TILE
TAILCH = 80
CW = 128


def _stage_a_body(x_ref, idx_ref, w_ref, b_ref, wg_ref, bg_ref,
                  h_ref, gnum_ref, seg_ref, denom_ref):
    x = x_ref[...]
    xb = x.astype(jnp.bfloat16)
    h_ref[...] = jnp.tanh(
        lax.dot_general(xb, w_ref[...].astype(jnp.bfloat16),
                        (((1,), (1,)), ((), ())),
                        preferred_element_type=jnp.float32) + b_ref[...])
    gfull = lax.dot_general(wg_ref[...], x, (((1,), (1,)), ((), ())),
                            preferred_element_type=jnp.float32)
    gnum = jnp.exp(gfull[:1, :] + bg_ref[0, 0])
    gnum_ref[...] = gnum[None]
    seg = idx_ref[:, :1]
    seg_ref[...] = jnp.transpose(seg)[None]
    oh = (lax.broadcasted_iota(jnp.int32, (BN, G), 1) == seg
          ).astype(jnp.float32)
    part = lax.dot_general(gnum, oh, (((1,), (0,)), ((), ())),
                           preferred_element_type=jnp.float32)

    @pl.when(pl.program_id(0) == 0)
    def _():
        denom_ref[...] = part

    @pl.when(pl.program_id(0) != 0)
    def _():
        denom_ref[...] += part


def _stage_a(x, index, w, b2, wg, bg2):
    return pl.pallas_call(
        _stage_a_body,
        grid=(GRID,),
        in_specs=[
            pl.BlockSpec((BN, D_IN), lambda i: (i, 0)),
            pl.BlockSpec((BN, 128), lambda i: (i, 0)),
            pl.BlockSpec((D_OUT, D_IN), lambda i: (0, 0)),
            pl.BlockSpec((1, D_OUT), lambda i: (0, 0)),
            pl.BlockSpec((128, D_IN), lambda i: (0, 0)),
            pl.BlockSpec(memory_space=pltpu.SMEM),
        ],
        out_specs=[
            pl.BlockSpec((BN, D_OUT), lambda i: (i, 0)),
            pl.BlockSpec((1, 1, BN), lambda i: (i, 0, 0)),
            pl.BlockSpec((1, 1, BN), lambda i: (i, 0, 0)),
            pl.BlockSpec((1, G), lambda i: (0, 0)),
        ],
        out_shape=[
            jax.ShapeDtypeStruct((N, D_OUT), jnp.float32),
            jax.ShapeDtypeStruct((GRID, 1, BN), jnp.float32),
            jax.ShapeDtypeStruct((GRID, 1, BN), jnp.int32),
            jax.ShapeDtypeStruct((1, G), jnp.float32),
        ],
    )(x, index, w, b2, wg, bg2)


def _stage_b_body(h_ref, seg_ref, gnum_ref, denom_ref, src_ref):
    d = denom_ref[...]
    rec = jnp.where(d > 0.0, 1.0 / d, 0.0)
    seg = jnp.transpose(seg_ref[0])
    oh = (lax.broadcasted_iota(jnp.int32, (BN, G), 1) == seg
          ).astype(jnp.float32)
    gathered = lax.dot_general(oh, rec, (((1,), (1,)), ((), ())),
                               preferred_element_type=jnp.float32)
    gnum_col = jnp.transpose(gnum_ref[0])
    src_ref[...] = (gnum_col * gathered) * h_ref[...]


def _stage_b(h, seg, gnum, denom):
    return pl.pallas_call(
        _stage_b_body,
        grid=(GRID,),
        in_specs=[
            pl.BlockSpec((BN, D_OUT), lambda i: (i, 0)),
            pl.BlockSpec((1, 1, BN), lambda i: (i, 0, 0)),
            pl.BlockSpec((1, 1, BN), lambda i: (i, 0, 0)),
            pl.BlockSpec((1, G), lambda i: (0, 0)),
        ],
        out_specs=pl.BlockSpec((BN, D_OUT), lambda i: (i, 0)),
        out_shape=jax.ShapeDtypeStruct((N, D_OUT), jnp.float32),
    )(h, seg, gnum, denom)


def _sc_body(src_hbm, idx_hbm, out_hbm, sbuf, ibuf, acc, sem):
    c = lax.axis_index("c")
    s = lax.axis_index("s")
    col0 = c * CW
    iotas = [lax.iota(jnp.int32, 16) + 16 * cg for cg in range(CW // 16)]
    zero16 = jnp.zeros((16,), jnp.float32)

    def _zero(i, carry):
        for cg in range(CW // 16):
            acc[i, pl.ds(cg * 16, 16)] = zero16
        return carry

    lax.fori_loop(0, G, _zero, 0)

    def _copies(r0, slot):
        return (
            pltpu.make_async_copy(
                src_hbm.at[pl.ds(r0, CH), pl.ds(col0, CW)],
                sbuf.at[slot], sem.at[slot]),
            pltpu.make_async_copy(
                idx_hbm.at[pl.ds(r0, CH), pl.ds(col0, CW)],
                ibuf.at[slot], sem.at[slot]),
        )

    def _compute(slot, nrows):
        @plsc.parallel_loop(0, nrows, 1, unroll=8)
        def _row(row):
            for cg in range(CW // 16):
                val = sbuf[slot, row, pl.ds(cg * 16, 16)]
                iv = ibuf[slot, row, pl.ds(cg * 16, 16)]
                plsc.addupdate_scatter(acc, [iv, iotas[cg]], val)

    for cp in _copies(s * ROWS_PER_TILE, 0):
        cp.start()

    def _chunk(k, carry):
        slot = lax.rem(k, 2)

        @pl.when(k + 1 < NCHUNK)
        def _():
            for cp in _copies(s * ROWS_PER_TILE + (k + 1) * CH,
                              lax.rem(k + 1, 2)):
                cp.start()

        for cp in _copies(s * ROWS_PER_TILE + k * CH, slot):
            cp.wait()
        _compute(slot, CH)
        return carry

    lax.fori_loop(0, NCHUNK, _chunk, 0)

    @pl.when(s < 2)
    def _():
        t0 = TAIL0 + s * TAILCH
        pltpu.sync_copy(src_hbm.at[pl.ds(t0, TAILCH), pl.ds(col0, CW)],
                        sbuf.at[0, pl.ds(0, TAILCH)])
        pltpu.sync_copy(idx_hbm.at[pl.ds(t0, TAILCH), pl.ds(col0, CW)],
                        ibuf.at[0, pl.ds(0, TAILCH)])
        _compute(0, TAILCH)

    pltpu.sync_copy(acc, out_hbm.at[c, s])


def _stage_c(src, index):
    mesh = plsc.VectorSubcoreMesh(core_axis_name="c", subcore_axis_name="s")
    f = pl.kernel(
        _sc_body,
        out_type=jax.ShapeDtypeStruct((NC, NS, G, CW), jnp.float32),
        mesh=mesh,
        compiler_params=pltpu.CompilerParams(needs_layout_passes=False),
        scratch_types=[
            pltpu.VMEM((2, CH, CW), jnp.float32),
            pltpu.VMEM((2, CH, CW), jnp.int32),
            pltpu.VMEM((G, CW), jnp.float32),
            pltpu.SemaphoreType.DMA((2,)),
        ],
    )
    return f(src, index)


def _stage_d_body(p_ref, o_ref):
    o_ref[...] = jnp.tanh(jnp.sum(p_ref[0], axis=0))


def _stage_d(partial4):
    return pl.pallas_call(
        _stage_d_body,
        grid=(NC,),
        in_specs=[pl.BlockSpec((1, NS, G, CW), lambda c: (c, 0, 0, 0))],
        out_specs=pl.BlockSpec((G, CW), lambda c: (0, c)),
        out_shape=jax.ShapeDtypeStruct((G, D_OUT), jnp.float32),
    )(partial4)


def kernel(x, n_graph, index, Wg, bg, W, b):
    b2 = b.reshape(1, D_OUT)
    bg2 = bg.reshape(1, 1)
    wgp = jnp.pad(Wg, ((0, 127), (0, 0)))
    h, gnum, seg, denom = _stage_a(x, index, W, b2, wgp, bg2)
    src = _stage_b(h, seg, gnum, denom)
    partial = _stage_c(src, index)
    return _stage_d(partial)

# --- scband reference (transcript-rebuilt; emitter-appended) ---
"""Pipeline reference for scband-global-attention-network-35613868819187 (READ-ONLY COPY).

The authoritative reference and input builder live on the scoring server;
editing this copy changes nothing except your own understanding.
"""

import jax, jax.numpy as jnp
import numpy as np

N = 100000
D_IN = 256
D_OUT = 256
G = 512
INIT_STD = 0.005

def setup_inputs(seed: int = 0) -> dict:
    key = jax.random.key(seed)
    k1, k2, k3, k4, k5, k6 = jax.random.split(key, 6)
    x = jax.random.normal(k1, (N, D_IN), dtype=jnp.float32)
    index = jnp.sort(jax.random.randint(k2, (N, D_OUT), 0, G, dtype=jnp.int32))
    # learned params (torch Linear layout: weight [out, in], bias [out])
    Wg = jax.random.normal(k3, (1, D_IN), dtype=jnp.float32) * INIT_STD
    bg = jax.random.uniform(k4, (1,), dtype=jnp.float32, minval=-1.0, maxval=1.0) / np.sqrt(D_IN)
    W = jax.random.normal(k5, (D_OUT, D_IN), dtype=jnp.float32) * INIT_STD
    b = jax.random.uniform(k6, (D_OUT,), dtype=jnp.float32, minval=-1.0, maxval=1.0) / np.sqrt(D_IN)
    return {"x": x, "n_graph": G, "index": index, "Wg": Wg, "bg": bg, "W": W, "b": b}

def reference(x, n_graph, index, Wg, bg, W, b):
    # gate_nn: Linear(D_IN, 1); exp for segment softmax numerator
    gate_numerator = jnp.exp(x @ Wg.T + bg)  # [N, 1]
    seg = index[:, 0]  # graph id per node
    denom = jax.ops.segment_sum(gate_numerator[:, 0], seg, num_segments=G)  # [G]
    gate = gate_numerator / denom[seg][:, None]  # [N, 1]
    # nn: Linear(D_IN, D_OUT) + tanh (use_tanh=True)
    h = jnp.tanh(x @ W.T + b)  # [N, D_OUT]
    src = gate * h  # [N, D_OUT]
    # torch scatter_add dim=0 with full [N, D_OUT] index: y[index[i,j], j] += src[i,j]
    cols = jnp.broadcast_to(jnp.arange(D_OUT, dtype=jnp.int32)[None, :], src.shape)
    y = jnp.zeros((G, D_OUT), dtype=jnp.float32).at[index, cols].add(src)
    n_graph_zero = jnp.asarray(n_graph - n_graph, dtype=jnp.float32)
    return jnp.tanh(y + n_graph_zero)

if __name__ == "__main__":
    import jax
    _d = setup_inputs()
    print(jax.jit(kernel)(*tuple(_d.values())))

</pallas_src>

<mosaic_0001>
#map = affine_map<(d0, d1) -> (0, 0)>
#map1 = affine_map<(d0, d1) -> (0, 0, 0, 0)>
module attributes {stable_mosaic.version = 14 : i64} {
  func.func @_sc_body(%arg0: i32, %arg1: i32, %arg2: memref<100000x256xf32, #tpu.memory_space<hbm>>, %arg3: memref<100000x256xi32, #tpu.memory_space<hbm>>, %arg4: memref<2x16x512x128xf32, #tpu.memory_space<hbm>>, %arg5: memref<2x120x128xf32, #tpu.memory_space<vmem>>, %arg6: memref<2x120x128xi32, #tpu.memory_space<vmem>>, %arg7: memref<512x128xf32, #tpu.memory_space<vmem>>, %arg8: memref<2x!tpu.dma_semaphore, #tpu.memory_space<semaphore_mem>>) attributes {dimension_semantics = [#tpu.dimension_semantics<core_parallel>, #tpu.dimension_semantics<subcore_parallel>], iteration_bounds = array<i64: 2, 16>, scalar_prefetch = 0 : i64, scratch_operands = 4 : i64, tpu.core_type = #tpu.core_type<sc_vector_subcore>, window_params = [{transform_indices = #map}, {transform_indices = #map}, {transform_indices = #map1}]} {
    %mul3A = arith.constant 128 : i32
    %mul3A_0 = arith.muli %arg0, %mul3A : i32
    %iota3A = tpu.iota {dimensions = array<i32: 0>} : vector<16xi32>
    %add3A = arith.constant 0 : i32
    %add3A_1 = vector.broadcast %add3A : i32 to vector<16xi32>
    %add3A_2 = arith.addi %iota3A, %add3A_1 : vector<16xi32>
    %iota3A_3 = tpu.iota {dimensions = array<i32: 0>} : vector<16xi32>
    %add3A_4 = arith.constant 16 : i32
    %add3A_5 = vector.broadcast %add3A_4 : i32 to vector<16xi32>
    %add3A_6 = arith.addi %iota3A_3, %add3A_5 : vector<16xi32>
    %iota3A_7 = tpu.iota {dimensions = array<i32: 0>} : vector<16xi32>
    %add3A_8 = arith.constant 32 : i32
    %add3A_9 = vector.broadcast %add3A_8 : i32 to vector<16xi32>
    %add3A_10 = arith.addi %iota3A_7, %add3A_9 : vector<16xi32>
    %iota3A_11 = tpu.iota {dimensions = array<i32: 0>} : vector<16xi32>
    %add3A_12 = arith.constant 48 : i32
    %add3A_13 = vector.broadcast %add3A_12 : i32 to vector<16xi32>
    %add3A_14 = arith.addi %iota3A_11, %add3A_13 : vector<16xi32>
    %iota3A_15 = tpu.iota {dimensions = array<i32: 0>} : vector<16xi32>
    %add3A_16 = arith.constant 64 : i32
    %add3A_17 = vector.broadcast %add3A_16 : i32 to vector<16xi32>
    %add3A_18 = arith.addi %iota3A_15, %add3A_17 : vector<16xi32>
    %iota3A_19 = tpu.iota {dimensions = array<i32: 0>} : vector<16xi32>
    %add3A_20 = arith.constant 80 : i32
    %add3A_21 = vector.broadcast %add3A_20 : i32 to vector<16xi32>
    %add3A_22 = arith.addi %iota3A_19, %add3A_21 : vector<16xi32>
    %iota3A_23 = tpu.iota {dimensions = array<i32: 0>} : vector<16xi32>
    %add3A_24 = arith.constant 96 : i32
    %add3A_25 = vector.broadcast %add3A_24 : i32 to vector<16xi32>
    %add3A_26 = arith.addi %iota3A_23, %add3A_25 : vector<16xi32>
    %iota3A_27 = tpu.iota {dimensions = array<i32: 0>} : vector<16xi32>
    %add3A_28 = arith.constant 112 : i32
    %add3A_29 = vector.broadcast %add3A_28 : i32 to vector<16xi32>
    %add3A_30 = arith.addi %iota3A_27, %add3A_29 : vector<16xi32>
    %broadcast_in_dim3A = arith.constant 0.000000e+00 : f32
    %broadcast_in_dim3A_31 = vector.broadcast %broadcast_in_dim3A : f32 to vector<16xf32>
    %scan3A = arith.constant 0 : i32
    %scan3A_32 = arith.constant 0 : i32
    %scan3A_33 = arith.constant 512 : i32
    %scan3A_34 = arith.addi %scan3A_32, %scan3A_33 : i32
    %scan3A_35 = arith.constant 1 : i32
    scf.for %scan3A_74 = %scan3A_32 to %scan3A_34 step %scan3A_35  : i32 {
      %swap3A = arith.index_cast %scan3A_74 : i32 to index
      %swap3A_75 = arith.constant 0 : index
      %swap3A_76 = tpu.vector_load %arg7[%swap3A, %swap3A_75] {strides = array<i32>} : memref<512x128xf32, #tpu.memory_space<vmem>>, vector<16xf32>,
      tpu.vector_store %arg7[%swap3A, %swap3A_75], %broadcast_in_dim3A_31 {strides = array<i32>} : memref<512x128xf32, #tpu.memory_space<vmem>>, vector<16xf32>,
      %swap3A_77 = arith.index_cast %scan3A_74 : i32 to index
      %swap3A_78 = arith.constant 16 : index
      %swap3A_79 = tpu.vector_load %arg7[%swap3A_77, %swap3A_78] {strides = array<i32>} : memref<512x128xf32, #tpu.memory_space<vmem>>, vector<16xf32>,
      tpu.vector_store %arg7[%swap3A_77, %swap3A_78], %broadcast_in_dim3A_31 {strides = array<i32>} : memref<512x128xf32, #tpu.memory_space<vmem>>, vector<16xf32>,
      %swap3A_80 = arith.index_cast %scan3A_74 : i32 to index
      %swap3A_81 = arith.constant 32 : index
      %swap3A_82 = tpu.vector_load %arg7[%swap3A_80, %swap3A_81] {strides = array<i32>} : memref<512x128xf32, #tpu.memory_space<vmem>>, vector<16xf32>,
      tpu.vector_store %arg7[%swap3A_80, %swap3A_81], %broadcast_in_dim3A_31 {strides = array<i32>} : memref<512x128xf32, #tpu.memory_space<vmem>>, vector<16xf32>,
      %swap3A_83 = arith.index_cast %scan3A_74 : i32 to index
      %swap3A_84 = arith.constant 48 : index
      %swap3A_85 = tpu.vector_load %arg7[%swap3A_83, %swap3A_84] {strides = array<i32>} : memref<512x128xf32, #tpu.memory_space<vmem>>, vector<16xf32>,
      tpu.vector_store %arg7[%swap3A_83, %swap3A_84], %broadcast_in_dim3A_31 {strides = array<i32>} : memref<512x128xf32, #tpu.memory_space<vmem>>, vector<16xf32>,
      %swap3A_86 = arith.index_cast %scan3A_74 : i32 to index
      %swap3A_87 = arith.constant 64 : index
      %swap3A_88 = tpu.vector_load %arg7[%swap3A_86, %swap3A_87] {strides = array<i32>} : memref<512x128xf32, #tpu.memory_space<vmem>>, vector<16xf32>,
      tpu.vector_store %arg7[%swap3A_86, %swap3A_87], %broadcast_in_dim3A_31 {strides = array<i32>} : memref<512x128xf32, #tpu.memory_space<vmem>>, vector<16xf32>,
      %swap3A_89 = arith.index_cast %scan3A_74 : i32 to index
      %swap3A_90 = arith.constant 80 : index
      %swap3A_91 = tpu.vector_load %arg7[%swap3A_89, %swap3A_90] {strides = array<i32>} : memref<512x128xf32, #tpu.memory_space<vmem>>, vector<16xf32>,
      tpu.vector_store %arg7[%swap3A_89, %swap3A_90], %broadcast_in_dim3A_31 {strides = array<i32>} : memref<512x128xf32, #tpu.memory_space<vmem>>, vector<16xf32>,
      %swap3A_92 = arith.index_cast %scan3A_74 : i32 to index
      %swap3A_93 = arith.constant 96 : index
      %swap3A_94 = tpu.vector_load %arg7[%swap3A_92, %swap3A_93] {strides = array<i32>} : memref<512x128xf32, #tpu.memory_space<vmem>>, vector<16xf32>,
      tpu.vector_store %arg7[%swap3A_92, %swap3A_93], %broadcast_in_dim3A_31 {strides = array<i32>} : memref<512x128xf32, #tpu.memory_space<vmem>>, vector<16xf32>,
      %swap3A_95 = arith.index_cast %scan3A_74 : i32 to index
      %swap3A_96 = arith.constant 112 : index
      %swap3A_97 = tpu.vector_load %arg7[%swap3A_95, %swap3A_96] {strides = array<i32>} : memref<512x128xf32, #tpu.memory_space<vmem>>, vector<16xf32>,
      tpu.vector_store %arg7[%swap3A_95, %swap3A_96], %broadcast_in_dim3A_31 {strides = array<i32>} : memref<512x128xf32, #tpu.memory_space<vmem>>, vector<16xf32>,
    }
    %scan3A_36 = arith.constant 512 : i32
    %mul3A_37 = arith.constant 6240 : i32
    %mul3A_38 = arith.muli %arg1, %mul3A_37 : i32
    %dma_start3A = arith.constant 0 : i32
    %dma_start3A_39 = arith.constant 0 : i32
    %dma_start3A_40 = arith.constant 0 : i32
    %dma_start3A_41 = arith.constant 0 : i32
    %dma_start3A_42 = tpu.memref_slice %arg5[%dma_start3A, %dma_start3A_40, %dma_start3A_41] : memref<2x120x128xf32, #tpu.memory_space<vmem>> -> memref<1x120x128xf32, #tpu.memory_space<vmem>>
    %dma_start3A_43 = tpu.memref_squeeze %dma_start3A_42 : memref<1x120x128xf32, #tpu.memory_space<vmem>> -> memref<120x128xf32, #tpu.memory_space<vmem>>
    %dma_start3A_44 = tpu.memref_slice %arg2[%mul3A_38, %mul3A_0] : memref<100000x256xf32, #tpu.memory_space<hbm>> -> memref<120x128xf32, #tpu.memory_space<hbm>>
    %dma_start3A_45 = tpu.memref_slice %arg8[%dma_start3A_39] : memref<2x!tpu.dma_semaphore, #tpu.memory_space<semaphore_mem>> -> memref<1x!tpu.dma_semaphore, #tpu.memory_space<semaphore_mem>>
    %dma_start3A_46 = tpu.memref_squeeze %dma_start3A_45 : memref<1x!tpu.dma_semaphore, #tpu.memory_space<semaphore_mem>> -> memref<!tpu.dma_semaphore, #tpu.memory_space<semaphore_mem>>
    %dma_start3A_47 = arith.constant 0 : i32
    %dma_start3A_48 = arith.constant 0 : i32
    %dma_start3A_49 = tpu.memref_slice %arg5[%dma_start3A, %dma_start3A_47, %dma_start3A_48] : memref<2x120x128xf32, #tpu.memory_space<vmem>> -> memref<1x120x128xf32, #tpu.memory_space<vmem>>
    %dma_start3A_50 = tpu.memref_squeeze %dma_start3A_49 : memref<1x120x128xf32, #tpu.memory_space<vmem>> -> memref<120x128xf32, #tpu.memory_space<vmem>>
    %dma_start3A_51 = tpu.memref_slice %arg2[%mul3A_38, %mul3A_0] : memref<100000x256xf32, #tpu.memory_space<hbm>> -> memref<120x128xf32, #tpu.memory_space<hbm>>
    tpu.enqueue_dma source(%dma_start3A_51 : memref<120x128xf32, #tpu.memory_space<hbm>>) target(%dma_start3A_50 : memref<120x128xf32, #tpu.memory_space<vmem>>) target_semaphore(%dma_start3A_46 : memref<!tpu.dma_semaphore, #tpu.memory_space<semaphore_mem>>)
    %dma_start3A_52 = arith.constant 0 : i32
    %dma_start3A_53 = arith.constant 0 : i32
    %dma_start3A_54 = arith.constant 0 : i32
    %dma_start3A_55 = arith.constant 0 : i32
    %dma_start3A_56 = tpu.memref_slice %arg6[%dma_start3A_52, %dma_start3A_54, %dma_start3A_55] : memref<2x120x128xi32, #tpu.memory_space<vmem>> -> memref<1x120x128xi32, #tpu.memory_space<vmem>>
    %dma_start3A_57 = tpu.memref_squeeze %dma_start3A_56 : memref<1x120x128xi32, #tpu.memory_space<vmem>> -> memref<120x128xi32, #tpu.memory_space<vmem>>
    %dma_start3A_58 = tpu.memref_slice %arg3[%mul3A_38, %mul3A_0] : memref<100000x256xi32, #tpu.memory_space<hbm>> -> memref<120x128xi32, #tpu.memory_space<hbm>>
    %dma_start3A_59 = tpu.memref_slice %arg8[%dma_start3A_53] : memref<2x!tpu.dma_semaphore, #tpu.memory_space<semaphore_mem>> -> memref<1x!tpu.dma_semaphore, #tpu.memory_space<semaphore_mem>>
    %dma_start3A_60 = tpu.memref_squeeze %dma_start3A_59 : memref<1x!tpu.dma_semaphore, #tpu.memory_space<semaphore_mem>> -> memref<!tpu.dma_semaphore, #tpu.memory_space<semaphore_mem>>
    %dma_start3A_61 = arith.constant 0 : i32
    %dma_start3A_62 = arith.constant 0 : i32
    %dma_start3A_63 = tpu.memref_slice %arg6[%dma_start3A_52, %dma_start3A_61, %dma_start3A_62] : memref<2x120x128xi32, #tpu.memory_space<vmem>> -> memref<1x120x128xi32, #tpu.memory_space<vmem>>
    %dma_start3A_64 = tpu.memref_squeeze %dma_start3A_63 : memref<1x120x128xi32, #tpu.memory_space<vmem>> -> memref<120x128xi32, #tpu.memory_space<vmem>>
    %dma_start3A_65 = tpu.memref_slice %arg3[%mul3A_38, %mul3A_0] : memref<100000x256xi32, #tpu.memory_space<hbm>> -> memref<120x128xi32, #tpu.memory_space<hbm>>
    tpu.enqueue_dma source(%dma_start3A_65 : memref<120x128xi32, #tpu.memory_space<hbm>>) target(%dma_start3A_64 : memref<120x128xi32, #tpu.memory_space<vmem>>) target_semaphore(%dma_start3A_60 : memref<!tpu.dma_semaphore, #tpu.memory_space<semaphore_mem>>)
    %scan3A_66 = arith.constant 0 : i32
    %scan3A_67 = arith.constant 0 : i32
    %scan3A_68 = arith.constant 52 : i32
    %scan3A_69 = arith.addi %scan3A_67, %scan3A_68 : i32
    %scan3A_70 = arith.constant 1 : i32
    scf.for %scan3A_74 = %scan3A_67 to %scan3A_69 step %scan3A_70  : i32 {
      %rem3A = arith.constant 2 : i32
      %rem3A_75 = arith.remsi %scan3A_74, %rem3A : i32
      %add3A_76 = arith.constant 1 : i32
      %add3A_77 = arith.addi %scan3A_74, %add3A_76 : i32
      %lt3A_78 = arith.constant 52 : i32
      %lt3A_79 = arith.cmpi slt, %add3A_77, %lt3A_78 : i32
      %convert_element_type3A_80 = arith.extui %lt3A_79 : i1 to i32
      %cond3A_81 = arith.constant 0 : i32
      %cond3A_82 = arith.cmpi ne, %convert_element_type3A_80, %cond3A_81 : i32
      scf.if %cond3A_82 {
        %mul3A_113 = arith.constant 6240 : i32
        %mul3A_114 = arith.muli %arg1, %mul3A_113 : i32
        %add3A_115 = arith.constant 1 : i32
        %add3A_116 = arith.addi %scan3A_74, %add3A_115 : i32
        %mul3A_117 = arith.constant 120 : i32
        %mul3A_118 = arith.muli %add3A_116, %mul3A_117 : i32
        %add3A_119 = arith.addi %mul3A_114, %mul3A_118 : i32
        %add3A_120 = arith.constant 1 : i32
        %add3A_121 = arith.addi %scan3A_74, %add3A_120 : i32
        %rem3A_122 = arith.constant 2 : i32
        %rem3A_123 = arith.remsi %add3A_121, %rem3A_122 : i32
        %dma_start3A_124 = arith.constant 0 : i32
        %dma_start3A_125 = arith.constant 0 : i32
        %dma_start3A_126 = tpu.memref_slice %arg5[%rem3A_123, %dma_start3A_124, %dma_start3A_125] : memref<2x120x128xf32, #tpu.memory_space<vmem>> -> memref<1x120x128xf32, #tpu.memory_space<vmem>>
        %dma_start3A_127 = tpu.memref_squeeze %dma_start3A_126 : memref<1x120x128xf32, #tpu.memory_space<vmem>> -> memref<120x128xf32, #tpu.memory_space<vmem>>
        %dma_start3A_128 = tpu.memref_slice %arg2[%add3A_119, %mul3A_0] : memref<100000x256xf32, #tpu.memory_space<hbm>> -> memref<120x128xf32, #tpu.memory_space<hbm>>
        %dma_start3A_129 = tpu.memref_slice %arg8[%rem3A_123] : memref<2x!tpu.dma_semaphore, #tpu.memory_space<semaphore_mem>> -> memref<1x!tpu.dma_semaphore, #tpu.memory_space<semaphore_mem>>
        %dma_start3A_130 = tpu.memref_squeeze %dma_start3A_129 : memref<1x!tpu.dma_semaphore, #tpu.memory_space<semaphore_mem>> -> memref<!tpu.dma_semaphore, #tpu.memory_space<semaphore_mem>>
        %dma_start3A_131 = arith.constant 0 : i32
        %dma_start3A_132 = arith.constant 0 : i32
        %dma_start3A_133 = tpu.memref_slice %arg5[%rem3A_123, %dma_start3A_131, %dma_start3A_132] : memref<2x120x128xf32, #tpu.memory_space<vmem>> -> memref<1x120x128xf32, #tpu.memory_space<vmem>>
        %dma_start3A_134 = tpu.memref_squeeze %dma_start3A_133 : memref<1x120x128xf32, #tpu.memory_space<vmem>> -> memref<120x128xf32, #tpu.memory_space<vmem>>
        %dma_start3A_135 = tpu.memref_slice %arg2[%add3A_119, %mul3A_0] : memref<100000x256xf32, #tpu.memory_space<hbm>> -> memref<120x128xf32, #tpu.memory_space<hbm>>
        tpu.enqueue_dma source(%dma_start3A_135 : memref<120x128xf32, #tpu.memory_space<hbm>>) target(%dma_start3A_134 : memref<120x128xf32, #tpu.memory_space<vmem>>) target_semaphore(%dma_start3A_130 : memref<!tpu.dma_semaphore, #tpu.memory_space<semaphore_mem>>)
        %dma_start3A_136 = arith.constant 0 : i32
        %dma_start3A_137 = arith.constant 0 : i32
        %dma_start3A_138 = tpu.memref_slice %arg6[%rem3A_123, %dma_start3A_136, %dma_start3A_137] : memref<2x120x128xi32, #tpu.memory_space<vmem>> -> memref<1x120x128xi32, #tpu.memory_space<vmem>>
        %dma_start3A_139 = tpu.memref_squeeze %dma_start3A_138 : memref<1x120x128xi32, #tpu.memory_space<vmem>> -> memref<120x128xi32, #tpu.memory_space<vmem>>
        %dma_start3A_140 = tpu.memref_slice %arg3[%add3A_119, %mul3A_0] : memref<100000x256xi32, #tpu.memory_space<hbm>> -> memref<120x128xi32, #tpu.memory_space<hbm>>
        %dma_start3A_141 = tpu.memref_slice %arg8[%rem3A_123] : memref<2x!tpu.dma_semaphore, #tpu.memory_space<semaphore_mem>> -> memref<1x!tpu.dma_semaphore, #tpu.memory_space<semaphore_mem>>
        %dma_start3A_142 = tpu.memref_squeeze %dma_start3A_141 : memref<1x!tpu.dma_semaphore, #tpu.memory_space<semaphore_mem>> -> memref<!tpu.dma_semaphore, #tpu.memory_space<semaphore_mem>>
        %dma_start3A_143 = arith.constant 0 : i32
        %dma_start3A_144 = arith.constant 0 : i32
        %dma_start3A_145 = tpu.memref_slice %arg6[%rem3A_123, %dma_start3A_143, %dma_start3A_144] : memref<2x120x128xi32, #tpu.memory_space<vmem>> -> memref<1x120x128xi32, #tpu.memory_space<vmem>>
        %dma_start3A_146 = tpu.memref_squeeze %dma_start3A_145 : memref<1x120x128xi32, #tpu.memory_space<vmem>> -> memref<120x128xi32, #tpu.memory_space<vmem>>
        %dma_start3A_147 = tpu.memref_slice %arg3[%add3A_119, %mul3A_0] : memref<100000x256xi32, #tpu.memory_space<hbm>> -> memref<120x128xi32, #tpu.memory_space<hbm>>
        tpu.enqueue_dma source(%dma_start3A_147 : memref<120x128xi32, #tpu.memory_space<hbm>>) target(%dma_start3A_146 : memref<120x128xi32, #tpu.memory_space<vmem>>) target_semaphore(%dma_start3A_142 : memref<!tpu.dma_semaphore, #tpu.memory_space<semaphore_mem>>)
      } else {
      }
      %mul3A_83 = arith.constant 6240 : i32
      %mul3A_84 = arith.muli %arg1, %mul3A_83 : i32
      %mul3A_85 = arith.constant 120 : i32
      %mul3A_86 = arith.muli %scan3A_74, %mul3A_85 : i32
      %add3A_87 = arith.addi %mul3A_84, %mul3A_86 : i32
      %dma_wait3A = arith.constant 0 : i32
      %dma_wait3A_88 = arith.constant 0 : i32
      %dma_wait3A_89 = tpu.memref_slice %arg5[%rem3A_75, %dma_wait3A, %dma_wait3A_88] : memref<2x120x128xf32, #tpu.memory_space<vmem>> -> memref<1x120x128xf32, #tpu.memory_space<vmem>>
      %dma_wait3A_90 = tpu.memref_squeeze %dma_wait3A_89 : memref<1x120x128xf32, #tpu.memory_space<vmem>> -> memref<120x128xf32, #tpu.memory_space<vmem>>
      %dma_wait3A_91 = tpu.memref_slice %arg2[%add3A_87, %mul3A_0] : memref<100000x256xf32, #tpu.memory_space<hbm>> -> memref<120x128xf32, #tpu.memory_space<hbm>>
      %dma_wait3A_92 = tpu.memref_slice %arg8[%rem3A_75] : memref<2x!tpu.dma_semaphore, #tpu.memory_space<semaphore_mem>> -> memref<1x!tpu.dma_semaphore, #tpu.memory_space<semaphore_mem>>
      %dma_wait3A_93 = tpu.memref_squeeze %dma_wait3A_92 : memref<1x!tpu.dma_semaphore, #tpu.memory_space<semaphore_mem>> -> memref<!tpu.dma_semaphore, #tpu.memory_space<semaphore_mem>>
      %dma_wait3A_94 = arith.constant 0 : i32
      %dma_wait3A_95 = arith.constant 0 : i32
      %dma_wait3A_96 = tpu.memref_slice %arg5[%rem3A_75, %dma_wait3A_94, %dma_wait3A_95] : memref<2x120x128xf32, #tpu.memory_space<vmem>> -> memref<1x120x128xf32, #tpu.memory_space<vmem>>
      %dma_wait3A_97 = tpu.memref_squeeze %dma_wait3A_96 : memref<1x120x128xf32, #tpu.memory_space<vmem>> -> memref<120x128xf32, #tpu.memory_space<vmem>>
      %dma_wait3A_98 = tpu.memref_slice %arg2[%add3A_87, %mul3A_0] : memref<100000x256xf32, #tpu.memory_space<hbm>> -> memref<120x128xf32, #tpu.memory_space<hbm>>
      tpu.wait_dma2 semaphore(%dma_wait3A_93 : memref<!tpu.dma_semaphore, #tpu.memory_space<semaphore_mem>>) src(%dma_wait3A_98 : memref<120x128xf32, #tpu.memory_space<hbm>>) dst(%dma_wait3A_97 : memref<120x128xf32, #tpu.memory_space<vmem>>)
      %dma_wait3A_99 = arith.constant 0 : i32
      %dma_wait3A_100 = arith.constant 0 : i32
      %dma_wait3A_101 = tpu.memref_slice %arg6[%rem3A_75, %dma_wait3A_99, %dma_wait3A_100] : memref<2x120x128xi32, #tpu.memory_space<vmem>> -> memref<1x120x128xi32, #tpu.memory_space<vmem>>
      %dma_wait3A_102 = tpu.memref_squeeze %dma_wait3A_101 : memref<1x120x128xi32, #tpu.memory_space<vmem>> -> memref<120x128xi32, #tpu.memory_space<vmem>>
      %dma_wait3A_103 = tpu.memref_slice %arg3[%add3A_87, %mul3A_0] : memref<100000x256xi32, #tpu.memory_space<hbm>> -> memref<120x128xi32, #tpu.memory_space<hbm>>
      %dma_wait3A_104 = tpu.memref_slice %arg8[%rem3A_75] : memref<2x!tpu.dma_semaphore, #tpu.memory_space<semaphore_mem>> -> memref<1x!tpu.dma_semaphore, #tpu.memory_space<semaphore_mem>>
      %dma_wait3A_105 = tpu.memref_squeeze %dma_wait3A_104 : memref<1x!tpu.dma_semaphore, #tpu.memory_space<semaphore_mem>> -> memref<!tpu.dma_semaphore, #tpu.memory_space<semaphore_mem>>
      %dma_wait3A_106 = arith.constant 0 : i32
      %dma_wait3A_107 = arith.constant 0 : i32
      %dma_wait3A_108 = tpu.memref_slice %arg6[%rem3A_75, %dma_wait3A_106, %dma_wait3A_107] : memref<2x120x128xi32, #tpu.memory_space<vmem>> -> memref<1x120x128xi32, #tpu.memory_space<vmem>>
      %dma_wait3A_109 = tpu.memref_squeeze %dma_wait3A_108 : memref<1x120x128xi32, #tpu.memory_space<vmem>> -> memref<120x128xi32, #tpu.memory_space<vmem>>
      %dma_wait3A_110 = tpu.memref_slice %arg3[%add3A_87, %mul3A_0] : memref<100000x256xi32, #tpu.memory_space<hbm>> -> memref<120x128xi32, #tpu.memory_space<hbm>>
      tpu.wait_dma2 semaphore(%dma_wait3A_105 : memref<!tpu.dma_semaphore, #tpu.memory_space<semaphore_mem>>) src(%dma_wait3A_110 : memref<120x128xi32, #tpu.memory_space<hbm>>) dst(%dma_wait3A_109 : memref<120x128xi32, #tpu.memory_space<vmem>>)
      %parallel_loop3A = arith.constant 0 : i32
      %parallel_loop3A_111 = arith.constant 120 : i32
      %parallel_loop3A_112 = arith.constant 1 : i32
      scf.for %parallel_loop3A_113 = %parallel_loop3A to %parallel_loop3A_111 step %parallel_loop3A_112  : i32 {
        %parallel_loop3A_114 = arith.index_cast %rem3A_75 : i32 to index
        %parallel_loop3A_115 = arith.index_cast %parallel_loop3A_113 : i32 to index
        %parallel_loop3A_116 = arith.constant 0 : index
        %parallel_loop3A_117 = tpu.vector_load %arg5[%parallel_loop3A_114, %parallel_loop3A_115, %parallel_loop3A_116] {strides = array<i32>} : memref<2x120x128xf32, #tpu.memory_space<vmem>>, vector<16xf32>,
        %parallel_loop3A_118 = arith.index_cast %rem3A_75 : i32 to index
        %parallel_loop3A_119 = arith.index_cast %parallel_loop3A_113 : i32 to index
        %parallel_loop3A_120 = arith.constant 0 : index
        %parallel_loop3A_121 = tpu.vector_load %arg6[%parallel_loop3A_118, %parallel_loop3A_119, %parallel_loop3A_120] {strides = array<i32>} : memref<2x120x128xi32, #tpu.memory_space<vmem>>, vector<16xi32>,
        tpu.vector_store_idx %arg7[%parallel_loop3A_121, %add3A_2], %parallel_loop3A_117 {add = true} : memref<512x128xf32, #tpu.memory_space<vmem>>[vector<16xi32>, vector<16xi32>], vector<16xf32>,
        %parallel_loop3A_122 = arith.index_cast %rem3A_75 : i32 to index
        %parallel_loop3A_123 = arith.index_cast %parallel_loop3A_113 : i32 to index
        %parallel_loop3A_124 = arith.constant 16 : index
        %parallel_loop3A_125 = tpu.vector_load %arg5[%parallel_loop3A_122, %parallel_loop3A_123, %parallel_loop3A_124] {strides = array<i32>} : memref<2x120x128xf32, #tpu.memory_space<vmem>>, vector<16xf32>,
        %parallel_loop3A_126 = arith.index_cast %rem3A_75 : i32 to index
        %parallel_loop3A_127 = arith.index_cast %parallel_loop3A_113 : i32 to index
        %parallel_loop3A_128 = arith.constant 16 : index
        %parallel_loop3A_129 = tpu.vector_load %arg6[%parallel_loop3A_126, %parallel_loop3A_127, %parallel_loop3A_128] {strides = array<i32>} : memref<2x120x128xi32, #tpu.memory_space<vmem>>, vector<16xi32>,
        tpu.vector_store_idx %arg7[%parallel_loop3A_129, %add3A_6], %parallel_loop3A_125 {add = true} : memref<512x128xf32, #tpu.memory_space<vmem>>[vector<16xi32>, vector<16xi32>], vector<16xf32>,
        %parallel_loop3A_130 = arith.index_cast %rem3A_75 : i32 to index
        %parallel_loop3A_131 = arith.index_cast %parallel_loop3A_113 : i32 to index
        %parallel_loop3A_132 = arith.constant 32 : index
        %parallel_loop3A_133 = tpu.vector_load %arg5[%parallel_loop3A_130, %parallel_loop3A_131, %parallel_loop3A_132] {strides = array<i32>} : memref<2x120x128xf32, #tpu.memory_space<vmem>>, vector<16xf32>,
        %parallel_loop3A_134 = arith.index_cast %rem3A_75 : i32 to index
        %parallel_loop3A_135 = arith.index_cast %parallel_loop3A_113 : i32 to index
        %parallel_loop3A_136 = arith.constant 32 : index
        %parallel_loop3A_137 = tpu.vector_load %arg6[%parallel_loop3A_134, %parallel_loop3A_135, %parallel_loop3A_136] {strides = array<i32>} : memref<2x120x128xi32, #tpu.memory_space<vmem>>, vector<16xi32>,
        tpu.vector_store_idx %arg7[%parallel_loop3A_137, %add3A_10], %parallel_loop3A_133 {add = true} : memref<512x128xf32, #tpu.memory_space<vmem>>[vector<16xi32>, vector<16xi32>], vector<16xf32>,
        %parallel_loop3A_138 = arith.index_cast %rem3A_75 : i32 to index
        %parallel_loop3A_139 = arith.index_cast %parallel_loop3A_113 : i32 to index
        %parallel_loop3A_140 = arith.constant 48 : index
        %parallel_loop3A_141 = tpu.vector_load %arg5[%parallel_loop3A_138, %parallel_loop3A_139, %parallel_loop3A_140] {strides = array<i32>} : memref<2x120x128xf32, #tpu.memory_space<vmem>>, vector<16xf32>,
        %parallel_loop3A_142 = arith.index_cast %rem3A_75 : i32 to index
        %parallel_loop3A_143 = arith.index_cast %parallel_loop3A_113 : i32 to index
        %parallel_loop3A_144 = arith.constant 48 : index
        %parallel_loop3A_145 = tpu.vector_load %arg6[%parallel_loop3A_142, %parallel_loop3A_143, %parallel_loop3A_144] {strides = array<i32>} : memref<2x120x128xi32, #tpu.memory_space<vmem>>, vector<16xi32>,
        tpu.vector_store_idx %arg7[%parallel_loop3A_145, %add3A_14], %parallel_loop3A_141 {add = true} : memref<512x128xf32, #tpu.memory_space<vmem>>[vector<16xi32>, vector<16xi32>], vector<16xf32>,
        %parallel_loop3A_146 = arith.index_cast %rem3A_75 : i32 to index
        %parallel_loop3A_147 = arith.index_cast %parallel_loop3A_113 : i32 to index
        %parallel_loop3A_148 = arith.constant 64 : index
        %parallel_loop3A_149 = tpu.vector_load %arg5[%parallel_loop3A_146, %parallel_loop3A_147, %parallel_loop3A_148] {strides = array<i32>} : memref<2x120x128xf32, #tpu.memory_space<vmem>>, vector<16xf32>,
        %parallel_loop3A_150 = arith.index_cast %rem3A_75 : i32 to index
        %parallel_loop3A_151 = arith.index_cast %parallel_loop3A_113 : i32 to index
        %parallel_loop3A_152 = arith.constant 64 : index
        %parallel_loop3A_153 = tpu.vector_load %arg6[%parallel_loop3A_150, %parallel_loop3A_151, %parallel_loop3A_152] {strides = array<i32>} : memref<2x120x128xi32, #tpu.memory_space<vmem>>, vector<16xi32>,
        tpu.vector_store_idx %arg7[%parallel_loop3A_153, %add3A_18], %parallel_loop3A_149 {add = true} : memref<512x128xf32, #tpu.memory_space<vmem>>[vector<16xi32>, vector<16xi32>], vector<16xf32>,
        %parallel_loop3A_154 = arith.index_cast %rem3A_75 : i32 to index
        %parallel_loop3A_155 = arith.index_cast %parallel_loop3A_113 : i32 to index
        %parallel_loop3A_156 = arith.constant 80 : index
        %parallel_loop3A_157 = tpu.vector_load %arg5[%parallel_loop3A_154, %parallel_loop3A_155, %parallel_loop3A_156] {strides = array<i32>} : memref<2x120x128xf32, #tpu.memory_space<vmem>>, vector<16xf32>,
        %parallel_loop3A_158 = arith.index_cast %rem3A_75 : i32 to index
        %parallel_loop3A_159 = arith.index_cast %parallel_loop3A_113 : i32 to index
        %parallel_loop3A_160 = arith.constant 80 : index
        %parallel_loop3A_161 = tpu.vector_load %arg6[%parallel_loop3A_158, %parallel_loop3A_159, %parallel_loop3A_160] {strides = array<i32>} : memref<2x120x128xi32, #tpu.memory_space<vmem>>, vector<16xi32>,
        tpu.vector_store_idx %arg7[%parallel_loop3A_161, %add3A_22], %parallel_loop3A_157 {add = true} : memref<512x128xf32, #tpu.memory_space<vmem>>[vector<16xi32>, vector<16xi32>], vector<16xf32>,
        %parallel_loop3A_162 = arith.index_cast %rem3A_75 : i32 to index
        %parallel_loop3A_163 = arith.index_cast %parallel_loop3A_113 : i32 to index
        %parallel_loop3A_164 = arith.constant 96 : index
        %parallel_loop3A_165 = tpu.vector_load %arg5[%parallel_loop3A_162, %parallel_loop3A_163, %parallel_loop3A_164] {strides = array<i32>} : memref<2x120x128xf32, #tpu.memory_space<vmem>>, vector<16xf32>,
        %parallel_loop3A_166 = arith.index_cast %rem3A_75 : i32 to index
        %parallel_loop3A_167 = arith.index_cast %parallel_loop3A_113 : i32 to index
        %parallel_loop3A_168 = arith.constant 96 : index
        %parallel_loop3A_169 = tpu.vector_load %arg6[%parallel_loop3A_166, %parallel_loop3A_167, %parallel_loop3A_168] {strides = array<i32>} : memref<2x120x128xi32, #tpu.memory_space<vmem>>, vector<16xi32>,
        tpu.vector_store_idx %arg7[%parallel_loop3A_169, %add3A_26], %parallel_loop3A_165 {add = true} : memref<512x128xf32, #tpu.memory_space<vmem>>[vector<16xi32>, vector<16xi32>], vector<16xf32>,
        %parallel_loop3A_170 = arith.index_cast %rem3A_75 : i32 to index
        %parallel_loop3A_171 = arith.index_cast %parallel_loop3A_113 : i32 to index
        %parallel_loop3A_172 = arith.constant 112 : index
        %parallel_loop3A_173 = tpu.vector_load %arg5[%parallel_loop3A_170, %parallel_loop3A_171, %parallel_loop3A_172] {strides = array<i32>} : memref<2x120x128xf32, #tpu.memory_space<vmem>>, vector<16xf32>,
        %parallel_loop3A_174 = arith.index_cast %rem3A_75 : i32 to index
        %parallel_loop3A_175 = arith.index_cast %parallel_loop3A_113 : i32 to index
        %parallel_loop3A_176 = arith.constant 112 : index
        %parallel_loop3A_177 = tpu.vector_load %arg6[%parallel_loop3A_174, %parallel_loop3A_175, %parallel_loop3A_176] {strides = array<i32>} : memref<2x120x128xi32, #tpu.memory_space<vmem>>, vector<16xi32>,
        tpu.vector_store_idx %arg7[%parallel_loop3A_177, %add3A_30], %parallel_loop3A_173 {add = true} : memref<512x128xf32, #tpu.memory_space<vmem>>[vector<16xi32>, vector<16xi32>], vector<16xf32>,
      } {sc.loop_unroll_factor = 8 : i64, sc.parallel_access}
    }
    %scan3A_71 = arith.constant 52 : i32
    %lt3A = arith.constant 2 : i32
    %lt3A_72 = arith.cmpi slt, %arg1, %lt3A : i32
    %convert_element_type3A = arith.extui %lt3A_72 : i1 to i32
    %cond3A = arith.constant 0 : i32
    %cond3A_73 = arith.cmpi ne, %convert_element_type3A, %cond3A : i32
    scf.if %cond3A_73 {
      %mul3A_74 = arith.constant 80 : i32
      %mul3A_75 = arith.muli %arg1, %mul3A_74 : i32
      %add3A_76 = arith.constant 99840 : i32
      %add3A_77 = arith.addi %add3A_76, %mul3A_75 : i32
      %run_scoped3A = arith.constant 0 : i32
      "tpu.region"() ({
        %run_scoped3A_81 = tpu.sem_alloc : memref<!tpu.dma_semaphore, #tpu.memory_space<semaphore_mem>>
        %dma_start3A_82 = arith.constant 0 : i32
        %dma_start3A_83 = arith.constant 0 : i32
        %dma_start3A_84 = tpu.memref_slice %arg5[%run_scoped3A, %dma_start3A_82, %dma_start3A_83] : memref<2x120x128xf32, #tpu.memory_space<vmem>> -> memref<1x80x128xf32, #tpu.memory_space<vmem>>
        %dma_start3A_85 = tpu.memref_squeeze %dma_start3A_84 : memref<1x80x128xf32, #tpu.memory_space<vmem>> -> memref<80x128xf32, #tpu.memory_space<vmem>>
        %dma_start3A_86 = tpu.memref_slice %arg2[%add3A_77, %mul3A_0] : memref<100000x256xf32, #tpu.memory_space<hbm>> -> memref<80x128xf32, #tpu.memory_space<hbm>>
        %dma_start3A_87 = arith.constant 0 : i32
        %dma_start3A_88 = arith.constant 0 : i32
        %dma_start3A_89 = tpu.memref_slice %arg5[%run_scoped3A, %dma_start3A_87, %dma_start3A_88] : memref<2x120x128xf32, #tpu.memory_space<vmem>> -> memref<1x80x128xf32, #tpu.memory_space<vmem>>
        %dma_start3A_90 = tpu.memref_squeeze %dma_start3A_89 : memref<1x80x128xf32, #tpu.memory_space<vmem>> -> memref<80x128xf32, #tpu.memory_space<vmem>>
        %dma_start3A_91 = tpu.memref_slice %arg2[%add3A_77, %mul3A_0] : memref<100000x256xf32, #tpu.memory_space<hbm>> -> memref<80x128xf32, #tpu.memory_space<hbm>>
        tpu.enqueue_dma source(%dma_start3A_91 : memref<80x128xf32, #tpu.memory_space<hbm>>) target(%dma_start3A_90 : memref<80x128xf32, #tpu.memory_space<vmem>>) target_semaphore(%run_scoped3A_81 : memref<!tpu.dma_semaphore, #tpu.memory_space<semaphore_mem>>)
        %dma_wait3A = arith.constant 0 : i32
        %dma_wait3A_92 = arith.constant 0 : i32
        %dma_wait3A_93 = tpu.memref_slice %arg5[%run_scoped3A, %dma_wait3A, %dma_wait3A_92] : memref<2x120x128xf32, #tpu.memory_space<vmem>> -> memref<1x80x128xf32, #tpu.memory_space<vmem>>
        %dma_wait3A_94 = tpu.memref_squeeze %dma_wait3A_93 : memref<1x80x128xf32, #tpu.memory_space<vmem>> -> memref<80x128xf32, #tpu.memory_space<vmem>>
        %dma_wait3A_95 = tpu.memref_slice %arg2[%add3A_77, %mul3A_0] : memref<100000x256xf32, #tpu.memory_space<hbm>> -> memref<80x128xf32, #tpu.memory_space<hbm>>
        %dma_wait3A_96 = arith.constant 0 : i32
        %dma_wait3A_97 = arith.constant 0 : i32
        %dma_wait3A_98 = tpu.memref_slice %arg5[%run_scoped3A, %dma_wait3A_96, %dma_wait3A_97] : memref<2x120x128xf32, #tpu.memory_space<vmem>> -> memref<1x80x128xf32, #tpu.memory_space<vmem>>
        %dma_wait3A_99 = tpu.memref_squeeze %dma_wait3A_98 : memref<1x80x128xf32, #tpu.memory_space<vmem>> -> memref<80x128xf32, #tpu.memory_space<vmem>>
        %dma_wait3A_100 = tpu.memref_slice %arg2[%add3A_77, %mul3A_0] : memref<100000x256xf32, #tpu.memory_space<hbm>> -> memref<80x128xf32, #tpu.memory_space<hbm>>
        tpu.wait_dma2 semaphore(%run_scoped3A_81 : memref<!tpu.dma_semaphore, #tpu.memory_space<semaphore_mem>>) src(%dma_wait3A_100 : memref<80x128xf32, #tpu.memory_space<hbm>>) dst(%dma_wait3A_99 : memref<80x128xf32, #tpu.memory_space<vmem>>)
        tpu.yield
      }) : () -> ()
      %run_scoped3A_78 = arith.constant 0 : i32
      "tpu.region"() ({
        %run_scoped3A_81 = tpu.sem_alloc : memref<!tpu.dma_semaphore, #tpu.memory_space<semaphore_mem>>
        %dma_start3A_82 = arith.constant 0 : i32
        %dma_start3A_83 = arith.constant 0 : i32
        %dma_start3A_84 = tpu.memref_slice %arg6[%run_scoped3A_78, %dma_start3A_82, %dma_start3A_83] : memref<2x120x128xi32, #tpu.memory_space<vmem>> -> memref<1x80x128xi32, #tpu.memory_space<vmem>>
        %dma_start3A_85 = tpu.memref_squeeze %dma_start3A_84 : memref<1x80x128xi32, #tpu.memory_space<vmem>> -> memref<80x128xi32, #tpu.memory_space<vmem>>
        %dma_start3A_86 = tpu.memref_slice %arg3[%add3A_77, %mul3A_0] : memref<100000x256xi32, #tpu.memory_space<hbm>> -> memref<80x128xi32, #tpu.memory_space<hbm>>
        %dma_start3A_87 = arith.constant 0 : i32
        %dma_start3A_88 = arith.constant 0 : i32
        %dma_start3A_89 = tpu.memref_slice %arg6[%run_scoped3A_78, %dma_start3A_87, %dma_start3A_88] : memref<2x120x128xi32, #tpu.memory_space<vmem>> -> memref<1x80x128xi32, #tpu.memory_space<vmem>>
        %dma_start3A_90 = tpu.memref_squeeze %dma_start3A_89 : memref<1x80x128xi32, #tpu.memory_space<vmem>> -> memref<80x128xi32, #tpu.memory_space<vmem>>
        %dma_start3A_91 = tpu.memref_slice %arg3[%add3A_77, %mul3A_0] : memref<100000x256xi32, #tpu.memory_space<hbm>> -> memref<80x128xi32, #tpu.memory_space<hbm>>
        tpu.enqueue_dma source(%dma_start3A_91 : memref<80x128xi32, #tpu.memory_space<hbm>>) target(%dma_start3A_90 : memref<80x128xi32, #tpu.memory_space<vmem>>) target_semaphore(%run_scoped3A_81 : memref<!tpu.dma_semaphore, #tpu.memory_space<semaphore_mem>>)
        %dma_wait3A = arith.constant 0 : i32
        %dma_wait3A_92 = arith.constant 0 : i32
        %dma_wait3A_93 = tpu.memref_slice %arg6[%run_scoped3A_78, %dma_wait3A, %dma_wait3A_92] : memref<2x120x128xi32, #tpu.memory_space<vmem>> -> memref<1x80x128xi32, #tpu.memory_space<vmem>>
        %dma_wait3A_94 = tpu.memref_squeeze %dma_wait3A_93 : memref<1x80x128xi32, #tpu.memory_space<vmem>> -> memref<80x128xi32, #tpu.memory_space<vmem>>
        %dma_wait3A_95 = tpu.memref_slice %arg3[%add3A_77, %mul3A_0] : memref<100000x256xi32, #tpu.memory_space<hbm>> -> memref<80x128xi32, #tpu.memory_space<hbm>>
        %dma_wait3A_96 = arith.constant 0 : i32
        %dma_wait3A_97 = arith.constant 0 : i32
        %dma_wait3A_98 = tpu.memref_slice %arg6[%run_scoped3A_78, %dma_wait3A_96, %dma_wait3A_97] : memref<2x120x128xi32, #tpu.memory_space<vmem>> -> memref<1x80x128xi32, #tpu.memory_space<vmem>>
        %dma_wait3A_99 = tpu.memref_squeeze %dma_wait3A_98 : memref<1x80x128xi32, #tpu.memory_space<vmem>> -> memref<80x128xi32, #tpu.memory_space<vmem>>
        %dma_wait3A_100 = tpu.memref_slice %arg3[%add3A_77, %mul3A_0] : memref<100000x256xi32, #tpu.memory_space<hbm>> -> memref<80x128xi32, #tpu.memory_space<hbm>>
        tpu.wait_dma2 semaphore(%run_scoped3A_81 : memref<!tpu.dma_semaphore, #tpu.memory_space<semaphore_mem>>) src(%dma_wait3A_100 : memref<80x128xi32, #tpu.memory_space<hbm>>) dst(%dma_wait3A_99 : memref<80x128xi32, #tpu.memory_space<vmem>>)
        tpu.yield
      }) : () -> ()
      %parallel_loop3A = arith.constant 0 : i32
      %parallel_loop3A_79 = arith.constant 80 : i32
      %parallel_loop3A_80 = arith.constant 1 : i32
      scf.for %parallel_loop3A_81 = %parallel_loop3A to %parallel_loop3A_79 step %parallel_loop3A_80  : i32 {
        %parallel_loop3A_82 = arith.constant 0 : i32
        %parallel_loop3A_83 = arith.index_cast %parallel_loop3A_82 : i32 to index
        %parallel_loop3A_84 = arith.index_cast %parallel_loop3A_81 : i32 to index
        %parallel_loop3A_85 = arith.constant 0 : index
        %parallel_loop3A_86 = tpu.vector_load %arg5[%parallel_loop3A_83, %parallel_loop3A_84, %parallel_loop3A_85] {strides = array<i32>} : memref<2x120x128xf32, #tpu.memory_space<vmem>>, vector<16xf32>,
        %parallel_loop3A_87 = arith.constant 0 : i32
        %parallel_loop3A_88 = arith.index_cast %parallel_loop3A_87 : i32 to index
        %parallel_loop3A_89 = arith.index_cast %parallel_loop3A_81 : i32 to index
        %parallel_loop3A_90 = arith.constant 0 : index
        %parallel_loop3A_91 = tpu.vector_load %arg6[%parallel_loop3A_88, %parallel_loop3A_89, %parallel_loop3A_90] {strides = array<i32>} : memref<2x120x128xi32, #tpu.memory_space<vmem>>, vector<16xi32>,
        tpu.vector_store_idx %arg7[%parallel_loop3A_91, %add3A_2], %parallel_loop3A_86 {add = true} : memref<512x128xf32, #tpu.memory_space<vmem>>[vector<16xi32>, vector<16xi32>], vector<16xf32>,
        %parallel_loop3A_92 = arith.constant 0 : i32
        %parallel_loop3A_93 = arith.index_cast %parallel_loop3A_92 : i32 to index
        %parallel_loop3A_94 = arith.index_cast %parallel_loop3A_81 : i32 to index
        %parallel_loop3A_95 = arith.constant 16 : index
        %parallel_loop3A_96 = tpu.vector_load %arg5[%parallel_loop3A_93, %parallel_loop3A_94, %parallel_loop3A_95] {strides = array<i32>} : memref<2x120x128xf32, #tpu.memory_space<vmem>>, vector<16xf32>,
        %parallel_loop3A_97 = arith.constant 0 : i32
        %parallel_loop3A_98 = arith.index_cast %parallel_loop3A_97 : i32 to index
        %parallel_loop3A_99 = arith.index_cast %parallel_loop3A_81 : i32 to index
        %parallel_loop3A_100 = arith.constant 16 : index
        %parallel_loop3A_101 = tpu.vector_load %arg6[%parallel_loop3A_98, %parallel_loop3A_99, %parallel_loop3A_100] {strides = array<i32>} : memref<2x120x128xi32, #tpu.memory_space<vmem>>, vector<16xi32>,
        tpu.vector_store_idx %arg7[%parallel_loop3A_101, %add3A_6], %parallel_loop3A_96 {add = true} : memref<512x128xf32, #tpu.memory_space<vmem>>[vector<16xi32>, vector<16xi32>], vector<16xf32>,
        %parallel_loop3A_102 = arith.constant 0 : i32
        %parallel_loop3A_103 = arith.index_cast %parallel_loop3A_102 : i32 to index
        %parallel_loop3A_104 = arith.index_cast %parallel_loop3A_81 : i32 to index
        %parallel_loop3A_105 = arith.constant 32 : index
        %parallel_loop3A_106 = tpu.vector_load %arg5[%parallel_loop3A_103, %parallel_loop3A_104, %parallel_loop3A_105] {strides = array<i32>} : memref<2x120x128xf32, #tpu.memory_space<vmem>>, vector<16xf32>,
        %parallel_loop3A_107 = arith.constant 0 : i32
        %parallel_loop3A_108 = arith.index_cast %parallel_loop3A_107 : i32 to index
        %parallel_loop3A_109 = arith.index_cast %parallel_loop3A_81 : i32 to index
        %parallel_loop3A_110 = arith.constant 32 : index
        %parallel_loop3A_111 = tpu.vector_load %arg6[%parallel_loop3A_108, %parallel_loop3A_109, %parallel_loop3A_110] {strides = array<i32>} : memref<2x120x128xi32, #tpu.memory_space<vmem>>, vector<16xi32>,
        tpu.vector_store_idx %arg7[%parallel_loop3A_111, %add3A_10], %parallel_loop3A_106 {add = true} : memref<512x128xf32, #tpu.memory_space<vmem>>[vector<16xi32>, vector<16xi32>], vector<16xf32>,
        %parallel_loop3A_112 = arith.constant 0 : i32
        %parallel_loop3A_113 = arith.index_cast %parallel_loop3A_112 : i32 to index
        %parallel_loop3A_114 = arith.index_cast %parallel_loop3A_81 : i32 to index
        %parallel_loop3A_115 = arith.constant 48 : index
        %parallel_loop3A_116 = tpu.vector_load %arg5[%parallel_loop3A_113, %parallel_loop3A_114, %parallel_loop3A_115] {strides = array<i32>} : memref<2x120x128xf32, #tpu.memory_space<vmem>>, vector<16xf32>,
        %parallel_loop3A_117 = arith.constant 0 : i32
        %parallel_loop3A_118 = arith.index_cast %parallel_loop3A_117 : i32 to index
        %parallel_loop3A_119 = arith.index_cast %parallel_loop3A_81 : i32 to index
        %parallel_loop3A_120 = arith.constant 48 : index
        %parallel_loop3A_121 = tpu.vector_load %arg6[%parallel_loop3A_118, %parallel_loop3A_119, %parallel_loop3A_120] {strides = array<i32>} : memref<2x120x128xi32, #tpu.memory_space<vmem>>, vector<16xi32>,
        tpu.vector_store_idx %arg7[%parallel_loop3A_121, %add3A_14], %parallel_loop3A_116 {add = true} : memref<512x128xf32, #tpu.memory_space<vmem>>[vector<16xi32>, vector<16xi32>], vector<16xf32>,
        %parallel_loop3A_122 = arith.constant 0 : i32
        %parallel_loop3A_123 = arith.index_cast %parallel_loop3A_122 : i32 to index
        %parallel_loop3A_124 = arith.index_cast %parallel_loop3A_81 : i32 to index
        %parallel_loop3A_125 = arith.constant 64 : index
        %parallel_loop3A_126 = tpu.vector_load %arg5[%parallel_loop3A_123, %parallel_loop3A_124, %parallel_loop3A_125] {strides = array<i32>} : memref<2x120x128xf32, #tpu.memory_space<vmem>>, vector<16xf32>,
        %parallel_loop3A_127 = arith.constant 0 : i32
        %parallel_loop3A_128 = arith.index_cast %parallel_loop3A_127 : i32 to index
        %parallel_loop3A_129 = arith.index_cast %parallel_loop3A_81 : i32 to index
        %parallel_loop3A_130 = arith.constant 64 : index
        %parallel_loop3A_131 = tpu.vector_load %arg6[%parallel_loop3A_128, %parallel_loop3A_129, %parallel_loop3A_130] {strides = array<i32>} : memref<2x120x128xi32, #tpu.memory_space<vmem>>, vector<16xi32>,
        tpu.vector_store_idx %arg7[%parallel_loop3A_131, %add3A_18], %parallel_loop3A_126 {add = true} : memref<512x128xf32, #tpu.memory_space<vmem>>[vector<16xi32>, vector<16xi32>], vector<16xf32>,
        %parallel_loop3A_132 = arith.constant 0 : i32
        %parallel_loop3A_133 = arith.index_cast %parallel_loop3A_132 : i32 to index
        %parallel_loop3A_134 = arith.index_cast %parallel_loop3A_81 : i32 to index
        %parallel_loop3A_135 = arith.constant 80 : index
        %parallel_loop3A_136 = tpu.vector_load %arg5[%parallel_loop3A_133, %parallel_loop3A_134, %parallel_loop3A_135] {strides = array<i32>} : memref<2x120x128xf32, #tpu.memory_space<vmem>>, vector<16xf32>,
        %parallel_loop3A_137 = arith.constant 0 : i32
        %parallel_loop3A_138 = arith.index_cast %parallel_loop3A_137 : i32 to index
        %parallel_loop3A_139 = arith.index_cast %parallel_loop3A_81 : i32 to index
        %parallel_loop3A_140 = arith.constant 80 : index
        %parallel_loop3A_141 = tpu.vector_load %arg6[%parallel_loop3A_138, %parallel_loop3A_139, %parallel_loop3A_140] {strides = array<i32>} : memref<2x120x128xi32, #tpu.memory_space<vmem>>, vector<16xi32>,
        tpu.vector_store_idx %arg7[%parallel_loop3A_141, %add3A_22], %parallel_loop3A_136 {add = true} : memref<512x128xf32, #tpu.memory_space<vmem>>[vector<16xi32>, vector<16xi32>], vector<16xf32>,
        %parallel_loop3A_142 = arith.constant 0 : i32
        %parallel_loop3A_143 = arith.index_cast %parallel_loop3A_142 : i32 to index
        %parallel_loop3A_144 = arith.index_cast %parallel_loop3A_81 : i32 to index
        %parallel_loop3A_145 = arith.constant 96 : index
        %parallel_loop3A_146 = tpu.vector_load %arg5[%parallel_loop3A_143, %parallel_loop3A_144, %parallel_loop3A_145] {strides = array<i32>} : memref<2x120x128xf32, #tpu.memory_space<vmem>>, vector<16xf32>,
        %parallel_loop3A_147 = arith.constant 0 : i32
        %parallel_loop3A_148 = arith.index_cast %parallel_loop3A_147 : i32 to index
        %parallel_loop3A_149 = arith.index_cast %parallel_loop3A_81 : i32 to index
        %parallel_loop3A_150 = arith.constant 96 : index
        %parallel_loop3A_151 = tpu.vector_load %arg6[%parallel_loop3A_148, %parallel_loop3A_149, %parallel_loop3A_150] {strides = array<i32>} : memref<2x120x128xi32, #tpu.memory_space<vmem>>, vector<16xi32>,
        tpu.vector_store_idx %arg7[%parallel_loop3A_151, %add3A_26], %parallel_loop3A_146 {add = true} : memref<512x128xf32, #tpu.memory_space<vmem>>[vector<16xi32>, vector<16xi32>], vector<16xf32>,
        %parallel_loop3A_152 = arith.constant 0 : i32
        %parallel_loop3A_153 = arith.index_cast %parallel_loop3A_152 : i32 to index
        %parallel_loop3A_154 = arith.index_cast %parallel_loop3A_81 : i32 to index
        %parallel_loop3A_155 = arith.constant 112 : index
        %parallel_loop3A_156 = tpu.vector_load %arg5[%parallel_loop3A_153, %parallel_loop3A_154, %parallel_loop3A_155] {strides = array<i32>} : memref<2x120x128xf32, #tpu.memory_space<vmem>>, vector<16xf32>,
        %parallel_loop3A_157 = arith.constant 0 : i32
        %parallel_loop3A_158 = arith.index_cast %parallel_loop3A_157 : i32 to index
        %parallel_loop3A_159 = arith.index_cast %parallel_loop3A_81 : i32 to index
        %parallel_loop3A_160 = arith.constant 112 : index
        %parallel_loop3A_161 = tpu.vector_load %arg6[%parallel_loop3A_158, %parallel_loop3A_159, %parallel_loop3A_160] {strides = array<i32>} : memref<2x120x128xi32, #tpu.memory_space<vmem>>, vector<16xi32>,
        tpu.vector_store_idx %arg7[%parallel_loop3A_161, %add3A_30], %parallel_loop3A_156 {add = true} : memref<512x128xf32, #tpu.memory_space<vmem>>[vector<16xi32>, vector<16xi32>], vector<16xf32>,
      } {sc.loop_unroll_factor = 8 : i64, sc.parallel_access}
    } else {
    }
    "tpu.region"() ({
      %run_scoped3A = tpu.sem_alloc : memref<!tpu.dma_semaphore, #tpu.memory_space<semaphore_mem>>
      %dma_start3A_74 = arith.constant 0 : i32
      %dma_start3A_75 = arith.constant 0 : i32
      %dma_start3A_76 = tpu.memref_slice %arg4[%arg0, %arg1, %dma_start3A_74, %dma_start3A_75] : memref<2x16x512x128xf32, #tpu.memory_space<hbm>> -> memref<1x1x512x128xf32, #tpu.memory_space<hbm>>
      %dma_start3A_77 = tpu.memref_squeeze %dma_start3A_76 : memref<1x1x512x128xf32, #tpu.memory_space<hbm>> -> memref<512x128xf32, #tpu.memory_space<hbm>>
      %dma_start3A_78 = arith.constant 0 : i32
      %dma_start3A_79 = arith.constant 0 : i32
      %dma_start3A_80 = tpu.memref_slice %arg4[%arg0, %arg1, %dma_start3A_78, %dma_start3A_79] : memref<2x16x512x128xf32, #tpu.memory_space<hbm>> -> memref<1x1x512x128xf32, #tpu.memory_space<hbm>>
      %dma_start3A_81 = tpu.memref_squeeze %dma_start3A_80 : memref<1x1x512x128xf32, #tpu.memory_space<hbm>> -> memref<512x128xf32, #tpu.memory_space<hbm>>
      tpu.enqueue_dma source(%arg7 : memref<512x128xf32, #tpu.memory_space<vmem>>) target(%dma_start3A_81 : memref<512x128xf32, #tpu.memory_space<hbm>>) target_semaphore(%run_scoped3A : memref<!tpu.dma_semaphore, #tpu.memory_space<semaphore_mem>>)
      %dma_wait3A = arith.constant 0 : i32
      %dma_wait3A_82 = arith.constant 0 : i32
      %dma_wait3A_83 = tpu.memref_slice %arg4[%arg0, %arg1, %dma_wait3A, %dma_wait3A_82] : memref<2x16x512x128xf32, #tpu.memory_space<hbm>> -> memref<1x1x512x128xf32, #tpu.memory_space<hbm>>
      %dma_wait3A_84 = tpu.memref_squeeze %dma_wait3A_83 : memref<1x1x512x128xf32, #tpu.memory_space<hbm>> -> memref<512x128xf32, #tpu.memory_space<hbm>>
      %dma_wait3A_85 = arith.constant 0 : i32
      %dma_wait3A_86 = arith.constant 0 : i32
      %dma_wait3A_87 = tpu.memref_slice %arg4[%arg0, %arg1, %dma_wait3A_85, %dma_wait3A_86] : memref<2x16x512x128xf32, #tpu.memory_space<hbm>> -> memref<1x1x512x128xf32, #tpu.memory_space<hbm>>
      %dma_wait3A_88 = tpu.memref_squeeze %dma_wait3A_87 : memref<1x1x512x128xf32, #tpu.memory_space<hbm>> -> memref<512x128xf32, #tpu.memory_space<hbm>>
      tpu.wait_dma2 semaphore(%run_scoped3A : memref<!tpu.dma_semaphore, #tpu.memory_space<semaphore_mem>>) src(%arg7 : memref<512x128xf32, #tpu.memory_space<vmem>>) dst(%dma_wait3A_88 : memref<512x128xf32, #tpu.memory_space<hbm>>)
      tpu.yield
    }) : () -> ()
    return
  }
}

module attributes {stable_mosaic.version = 14 : i64} {
  func.func @_stage_a_body(%arg0: i32, %arg1: memref<2000x256xf32, #tpu.memory_space<vmem>>, %arg2: memref<2000x128xi32, #tpu.memory_space<vmem>>, %arg3: memref<256x256xf32, #tpu.memory_space<vmem>>, %arg4: memref<1x256xf32, #tpu.memory_space<vmem>>, %arg5: memref<128x256xf32, #tpu.memory_space<vmem>>, %arg6: memref<1x1xf32, #tpu.memory_space<smem>>, %arg7: memref<2000x256xf32, #tpu.memory_space<vmem>>, %arg8: memref<1x1x2000xf32, #tpu.memory_space<vmem>>, %arg9: memref<1x1x2000xi32, #tpu.memory_space<vmem>>, %arg10: memref<1x512xf32, #tpu.memory_space<vmem>>) attributes {dimension_semantics = [#tpu.dimension_semantics<arbitrary>], iteration_bounds = array<i64: 50>, scalar_prefetch = 0 : i64, scratch_operands = 0 : i64, tpu.core_type = #tpu.core_type<tc>, window_params = [{transform_indices = @transform_0, window_bounds = array<i64: 2000, 256>}, {transform_indices = @transform_1, window_bounds = array<i64: 2000, 128>}, {pipeline_mode = #tpu.pipeline_mode<synchronous>, transform_indices = @transform_2, window_bounds = array<i64: 256, 256>}, {pipeline_mode = #tpu.pipeline_mode<synchronous>, transform_indices = @transform_3, window_bounds = array<i64: 1, 256>}, {pipeline_mode = #tpu.pipeline_mode<synchronous>, transform_indices = @transform_4, window_bounds = array<i64: 128, 256>}, {transform_indices = @transform_5, window_bounds = array<i64: 1, 1>}, {transform_indices = @transform_6, window_bounds = array<i64: 2000, 256>}, {transform_indices = @transform_7, window_bounds = array<i64: 1, 1, 2000>}, {transform_indices = @transform_8, window_bounds = array<i64: 1, 1, 2000>}, {pipeline_mode = #tpu.pipeline_mode<synchronous>, transform_indices = @transform_9, window_bounds = array<i64: 1, 512>}]} {
    %get3A = arith.constant 0 : index
    %get3A_0 = arith.constant 0 : index
    %get3A_1 = vector.load %arg1[%get3A, %get3A_0] : memref<2000x256xf32, #tpu.memory_space<vmem>>, vector<2000x256xf32>
    %convert_element_type3A = arith.truncf %get3A_1 : vector<2000x256xf32> to vector<2000x256xbf16>
    %get3A_2 = arith.constant 0 : index
    %get3A_3 = arith.constant 0 : index
    %get3A_4 = vector.load %arg3[%get3A_2, %get3A_3] : memref<256x256xf32, #tpu.memory_space<vmem>>, vector<256x256xf32>
    %convert_element_type3A_5 = arith.truncf %get3A_4 : vector<256x256xf32> to vector<256x256xbf16>
    %dot_general3A = arith.constant dense<0.000000e+00> : vector<2000x256xf32>
    %dot_general3A_6 = tpu.matmul %convert_element_type3A, %convert_element_type3A_5, %dot_general3A {dimension_numbers = #tpu.dot_dimension_numbers<[1], [1], [0], [0], [0, 0, 1, 0], [], []>, transpose_lhs_hint = false} : vector<2000x256xbf16>, vector<256x256xbf16>, vector<2000x256xf32> -> vector<2000x256xf32>
    %get3A_7 = arith.constant 0 : index
    %get3A_8 = arith.constant 0 : index
    %get3A_9 = vector.load %arg4[%get3A_7, %get3A_8] : memref<1x256xf32, #tpu.memory_space<vmem>>, vector<1x256xf32>
    %add3A = vector.broadcast %get3A_9 : vector<1x256xf32> to vector<2000x256xf32>
    %add3A_10 = arith.addf %dot_general3A_6, %add3A : vector<2000x256xf32>
    %tanh3A = math.tanh %add3A_10 : vector<2000x256xf32>
    %swap3A = arith.constant 0 : index
    %swap3A_11 = arith.constant 0 : index
    %swap3A_12 = vector.load %arg7[%swap3A, %swap3A_11] : memref<2000x256xf32, #tpu.memory_space<vmem>>, vector<2000x256xf32>
    tpu.vector_store %arg7[%swap3A, %swap3A_11], %tanh3A {strides = array<i32>} : memref<2000x256xf32, #tpu.memory_space<vmem>>, vector<2000x256xf32>,
    %get3A_13 = arith.constant 0 : index
    %get3A_14 = arith.constant 0 : index
    %get3A_15 = vector.load %arg5[%get3A_13, %get3A_14] : memref<128x256xf32, #tpu.memory_space<vmem>>, vector<128x256xf32>
    %dot_general3A_16 = arith.constant dense<0.000000e+00> : vector<128x2000xf32>
    %dot_general3A_17 = tpu.matmul %get3A_15, %get3A_1, %dot_general3A_16 {dimension_numbers = #tpu.dot_dimension_numbers<[1], [1], [0], [0], [0, 0, 1, 0], [], []>, transpose_lhs_hint = false} : vector<128x256xf32>, vector<2000x256xf32>, vector<128x2000xf32> -> vector<128x2000xf32>
    %slice3A = vector.extract_strided_slice %dot_general3A_17 {offsets = [0, 0], sizes = [1, 2000], strides = [1, 1]} : vector<128x2000xf32> to vector<1x2000xf32>
    %get3A_18 = arith.constant 0 : index
    %get3A_19 = arith.constant 0 : index
    %get3A_20 = memref.load %arg6[%get3A_18, %get3A_19] : memref<1x1xf32, #tpu.memory_space<smem>>
    %add3A_21 = vector.broadcast %get3A_20 : f32 to vector<1x2000xf32>
    %add3A_22 = arith.addf %slice3A, %add3A_21 : vector<1x2000xf32>
    %exp3A = math.exp %add3A_22 : vector<1x2000xf32>
    %broadcast_in_dim3A = vector.shape_cast %exp3A : vector<1x2000xf32> to vector<1x1x2000xf32>
    %swap3A_23 = arith.constant 0 : index
    %swap3A_24 = arith.constant 0 : index
    %swap3A_25 = arith.constant 0 : index
    %swap3A_26 = vector.load %arg8[%swap3A_23, %swap3A_24, %swap3A_25] : memref<1x1x2000xf32, #tpu.memory_space<vmem>>, vector<1x1x2000xf32>
    tpu.vector_store %arg8[%swap3A_23, %swap3A_24, %swap3A_25], %broadcast_in_dim3A {strides = array<i32>} : memref<1x1x2000xf32, #tpu.memory_space<vmem>>, vector<1x1x2000xf32>,
    %get3A_27 = arith.constant 0 : index
    %get3A_28 = arith.constant 0 : index
    %get3A_29 = vector.load %arg2[%get3A_27, %get3A_28] : memref<2000x128xi32, #tpu.memory_space<vmem>>, vector<2000x1xi32>
    %transpose3A = tpu.transpose %get3A_29, [1, 0] : vector<2000x1xi32> -> vector<1x2000xi32>
    %broadcast_in_dim3A_30 = vector.shape_cast %transpose3A : vector<1x2000xi32> to vector<1x1x2000xi32>
    %swap3A_31 = arith.constant 0 : index
    %swap3A_32 = arith.constant 0 : index
    %swap3A_33 = arith.constant 0 : index
    %swap3A_34 = vector.load %arg9[%swap3A_31, %swap3A_32, %swap3A_33] : memref<1x1x2000xi32, #tpu.memory_space<vmem>>, vector<1x1x2000xi32>
    tpu.vector_store %arg9[%swap3A_31, %swap3A_32, %swap3A_33], %broadcast_in_dim3A_30 {strides = array<i32>} : memref<1x1x2000xi32, #tpu.memory_space<vmem>>, vector<1x1x2000xi32>,
    %iota3A = tpu.iota {dimensions = array<i32: 1>} : vector<2000x512xi32>
    %eq3A = vector.broadcast %get3A_29 : vector<2000x1xi32> to vector<2000x512xi32>
    %eq3A_35 = arith.cmpi eq, %iota3A, %eq3A : vector<2000x512xi32>
    %convert_element_type3A_36 = arith.extui %eq3A_35 : vector<2000x512xi1> to vector<2000x512xi32>
    %convert_element_type3A_37 = arith.sitofp %convert_element_type3A_36 : vector<2000x512xi32> to vector<2000x512xf32>
    %dot_general3A_38 = arith.constant dense<0.000000e+00> : vector<1x512xf32>
    %dot_general3A_39 = tpu.matmul %exp3A, %convert_element_type3A_37, %dot_general3A_38 {dimension_numbers = #tpu.dot_dimension_numbers<[1], [0], [0], [1], [0, 0, 1, 1], [], []>, transpose_lhs_hint = false} : vector<1x2000xf32>, vector<2000x512xf32>, vector<1x512xf32> -> vector<1x512xf32>
    %eq3A_40 = arith.constant 0 : i32
    %eq3A_41 = arith.cmpi eq, %arg0, %eq3A_40 : i32
    %convert_element_type3A_42 = arith.extui %eq3A_41 : i1 to i32
    %cond3A = arith.constant 0 : i32
    %cond3A_43 = arith.cmpi ne, %convert_element_type3A_42, %cond3A : i32
    scf.if %cond3A_43 {
      %swap3A_48 = arith.constant 0 : index
      %swap3A_49 = arith.constant 0 : index
      %swap3A_50 = vector.load %arg10[%swap3A_48, %swap3A_49] : memref<1x512xf32, #tpu.memory_space<vmem>>, vector<1x512xf32>
      tpu.vector_store %arg10[%swap3A_48, %swap3A_49], %dot_general3A_39 {strides = array<i32>} : memref<1x512xf32, #tpu.memory_space<vmem>>, vector<1x512xf32>,
    } else {
    }
    %ne3A = arith.constant 0 : i32
    %ne3A_44 = arith.cmpi ne, %arg0, %ne3A : i32
    %convert_element_type3A_45 = arith.extui %ne3A_44 : i1 to i32
    %cond3A_46 = arith.constant 0 : i32
    %cond3A_47 = arith.cmpi ne, %convert_element_type3A_45, %cond3A_46 : i32
    scf.if %cond3A_47 {
      %get3A_48 = arith.constant 0 : index
      %get3A_49 = arith.constant 0 : index
      %get3A_50 = vector.load %arg10[%get3A_48, %get3A_49] : memref<1x512xf32, #tpu.memory_space<vmem>>, vector<1x512xf32>
      %add3A_51 = arith.addf %get3A_50, %dot_general3A_39 : vector<1x512xf32>
      %swap3A_52 = arith.constant 0 : index
      %swap3A_53 = arith.constant 0 : index
      %swap3A_54 = vector.load %arg10[%swap3A_52, %swap3A_53] : memref<1x512xf32, #tpu.memory_space<vmem>>, vector<1x512xf32>
      tpu.vector_store %arg10[%swap3A_52, %swap3A_53], %add3A_51 {strides = array<i32>} : memref<1x512xf32, #tpu.memory_space<vmem>>, vector<1x512xf32>,
    } else {
    }
    return
  }
  func.func @transform_0(%arg0: i32) -> (i32, i32) {
    %c0_i32 = arith.constant 0 : i32
    %c0_i32_0 = arith.constant 0 : i32
    return %arg0, %c0_i32 : i32, i32
  }
  func.func @transform_1(%arg0: i32) -> (i32, i32) {
    %c0_i32 = arith.constant 0 : i32
    %c0_i32_0 = arith.constant 0 : i32
    return %arg0, %c0_i32 : i32, i32
  }
  func.func @transform_2(%arg0: i32) -> (i32, i32) {
    %c0_i32 = arith.constant 0 : i32
    %c0_i32_0 = arith.constant 0 : i32
    %c0_i32_1 = arith.constant 0 : i32
    return %c0_i32, %c0_i32_0 : i32, i32
  }
  func.func @transform_3(%arg0: i32) -> (i32, i32) {
    %c0_i32 = arith.constant 0 : i32
    %c0_i32_0 = arith.constant 0 : i32
    %c0_i32_1 = arith.constant 0 : i32
    return %c0_i32, %c0_i32_0 : i32, i32
  }
  func.func @transform_4(%arg0: i32) -> (i32, i32) {
    %c0_i32 = arith.constant 0 : i32
    %c0_i32_0 = arith.constant 0 : i32
    %c0_i32_1 = arith.constant 0 : i32
    return %c0_i32, %c0_i32_0 : i32, i32
  }
  func.func @transform_5(%arg0: i32) -> (i32, i32) {
    %c0_i32 = arith.constant 0 : i32
    %c0_i32_0 = arith.constant 0 : i32
    %c0_i32_1 = arith.constant 0 : i32
    return %c0_i32, %c0_i32_0 : i32, i32
  }
  func.func @transform_6(%arg0: i32) -> (i32, i32) {
    %c0_i32 = arith.constant 0 : i32
    %c0_i32_0 = arith.constant 0 : i32
    return %arg0, %c0_i32 : i32, i32
  }
  func.func @transform_7(%arg0: i32) -> (i32, i32, i32) {
    %c0_i32 = arith.constant 0 : i32
    %c0_i32_0 = arith.constant 0 : i32
    %c0_i32_1 = arith.constant 0 : i32
    return %arg0, %c0_i32, %c0_i32_0 : i32, i32, i32
  }
  func.func @transform_8(%arg0: i32) -> (i32, i32, i32) {
    %c0_i32 = arith.constant 0 : i32
    %c0_i32_0 = arith.constant 0 : i32
    %c0_i32_1 = arith.constant 0 : i32
    return %arg0, %c0_i32, %c0_i32_0 : i32, i32, i32
  }
  func.func @transform_9(%arg0: i32) -> (i32, i32) {
    %c0_i32 = arith.constant 0 : i32
    %c0_i32_0 = arith.constant 0 : i32
    %c0_i32_1 = arith.constant 0 : i32
    return %c0_i32, %c0_i32_0 : i32, i32
  }
}

module attributes {stable_mosaic.version = 14 : i64} {
  func.func @_stage_d_body(%arg0: i32, %arg1: memref<1x16x512x128xf32, #tpu.memory_space<vmem>>, %arg2: memref<512x128xf32, #tpu.memory_space<vmem>>) attributes {dimension_semantics = [#tpu.dimension_semantics<arbitrary>], iteration_bounds = array<i64: 2>, scalar_prefetch = 0 : i64, scratch_operands = 0 : i64, tpu.core_type = #tpu.core_type<tc>, window_params = [{transform_indices = @transform_0, window_bounds = array<i64: 1, 16, 512, 128>}, {transform_indices = @transform_1, window_bounds = array<i64: 512, 128>}]} {
    %get3A = arith.constant 0 : index
    %get3A_0 = arith.constant 0 : index
    %get3A_1 = arith.constant 0 : index
    %get3A_2 = arith.constant 0 : index
    %get3A_3 = vector.load %arg1[%get3A, %get3A_0, %get3A_1, %get3A_2] : memref<1x16x512x128xf32, #tpu.memory_space<vmem>>, vector<1x16x512x128xf32>
    %get3A_4 = vector.shape_cast %get3A_3 : vector<1x16x512x128xf32> to vector<16x512x128xf32>
    %reduce_sum3A = arith.constant dense<0.000000e+00> : vector<512x128xf32>
    %reduce_sum3A_5 = vector.multi_reduction <add>, %get3A_4, %reduce_sum3A [0] : vector<16x512x128xf32> to vector<512x128xf32>
    %tanh3A = math.tanh %reduce_sum3A_5 : vector<512x128xf32>
    %swap3A = arith.constant 0 : index
    %swap3A_6 = arith.constant 0 : index
    %swap3A_7 = vector.load %arg2[%swap3A, %swap3A_6] : memref<512x128xf32, #tpu.memory_space<vmem>>, vector<512x128xf32>
    tpu.vector_store %arg2[%swap3A, %swap3A_6], %tanh3A {strides = array<i32>} : memref<512x128xf32, #tpu.memory_space<vmem>>, vector<512x128xf32>,
    return
  }
  func.func @transform_0(%arg0: i32) -> (i32, i32, i32, i32) {
    %c0_i32 = arith.constant 0 : i32
    %c0_i32_0 = arith.constant 0 : i32
    %c0_i32_1 = arith.constant 0 : i32
    %c0_i32_2 = arith.constant 0 : i32
    return %arg0, %c0_i32, %c0_i32_0, %c0_i32_1 : i32, i32, i32, i32
  }
  func.func @transform_1(%arg0: i32) -> (i32, i32) {
    %c0_i32 = arith.constant 0 : i32
    %c0_i32_0 = arith.constant 0 : i32
    return %c0_i32, %arg0 : i32, i32
  }
}

module attributes {stable_mosaic.version = 14 : i64} {
  func.func @_stage_b_body(%arg0: i32, %arg1: memref<2000x256xf32, #tpu.memory_space<vmem>>, %arg2: memref<1x1x2000xi32, #tpu.memory_space<vmem>>, %arg3: memref<1x1x2000xf32, #tpu.memory_space<vmem>>, %arg4: memref<1x512xf32, #tpu.memory_space<vmem>>, %arg5: memref<2000x256xf32, #tpu.memory_space<vmem>>) attributes {dimension_semantics = [#tpu.dimension_semantics<arbitrary>], iteration_bounds = array<i64: 50>, scalar_prefetch = 0 : i64, scratch_operands = 0 : i64, tpu.core_type = #tpu.core_type<tc>, window_params = [{transform_indices = @transform_0, window_bounds = array<i64: 2000, 256>}, {transform_indices = @transform_1, window_bounds = array<i64: 1, 1, 2000>}, {transform_indices = @transform_2, window_bounds = array<i64: 1, 1, 2000>}, {pipeline_mode = #tpu.pipeline_mode<synchronous>, transform_indices = @transform_3, window_bounds = array<i64: 1, 512>}, {transform_indices = @transform_4, window_bounds = array<i64: 2000, 256>}]} {
    %get3A = arith.constant 0 : index
    %get3A_0 = arith.constant 0 : index
    %get3A_1 = vector.load %arg4[%get3A, %get3A_0] : memref<1x512xf32, #tpu.memory_space<vmem>>, vector<1x512xf32>
    %gt3A = arith.constant 0.000000e+00 : f32
    %gt3A_2 = vector.broadcast %gt3A : f32 to vector<1x512xf32>
    %gt3A_3 = arith.cmpf ogt, %get3A_1, %gt3A_2 : vector<1x512xf32>
    %div3A = arith.constant 1.000000e+00 : f32
    %div3A_4 = vector.broadcast %div3A : f32 to vector<1x512xf32>
    %div3A_5 = arith.divf %div3A_4, %get3A_1 : vector<1x512xf32>
    %jit3A = arith.constant 0.000000e+00 : f32
    %broadcast_in_dim3A = vector.broadcast %jit3A : f32 to vector<1x512xf32>
    %select_n3A = arith.select %gt3A_3, %div3A_5, %broadcast_in_dim3A : vector<1x512xi1>, vector<1x512xf32>
    %get3A_6 = arith.constant 0 : index
    %get3A_7 = arith.constant 0 : index
    %get3A_8 = arith.constant 0 : index
    %get3A_9 = vector.load %arg2[%get3A_6, %get3A_7, %get3A_8] : memref<1x1x2000xi32, #tpu.memory_space<vmem>>, vector<1x1x2000xi32>
    %get3A_10 = vector.shape_cast %get3A_9 : vector<1x1x2000xi32> to vector<1x2000xi32>
    %transpose3A = tpu.transpose %get3A_10, [1, 0] : vector<1x2000xi32> -> vector<2000x1xi32>
    %iota3A = tpu.iota {dimensions = array<i32: 1>} : vector<2000x512xi32>
    %eq3A = vector.broadcast %transpose3A : vector<2000x1xi32> to vector<2000x512xi32>
    %eq3A_11 = arith.cmpi eq, %iota3A, %eq3A : vector<2000x512xi32>
    %convert_element_type3A = arith.extui %eq3A_11 : vector<2000x512xi1> to vector<2000x512xi32>
    %convert_element_type3A_12 = arith.sitofp %convert_element_type3A : vector<2000x512xi32> to vector<2000x512xf32>
    %dot_general3A = arith.constant dense<0.000000e+00> : vector<2000x1xf32>
    %dot_general3A_13 = tpu.matmul %convert_element_type3A_12, %select_n3A, %dot_general3A {dimension_numbers = #tpu.dot_dimension_numbers<[1], [1], [0], [0], [0, 0, 1, 0], [], []>, transpose_lhs_hint = false} : vector<2000x512xf32>, vector<1x512xf32>, vector<2000x1xf32> -> vector<2000x1xf32>
    %get3A_14 = arith.constant 0 : index
    %get3A_15 = arith.constant 0 : index
    %get3A_16 = arith.constant 0 : index
    %get3A_17 = vector.load %arg3[%get3A_14, %get3A_15, %get3A_16] : memref<1x1x2000xf32, #tpu.memory_space<vmem>>, vector<1x1x2000xf32>
    %get3A_18 = vector.shape_cast %get3A_17 : vector<1x1x2000xf32> to vector<1x2000xf32>
    %transpose3A_19 = tpu.transpose %get3A_18, [1, 0] : vector<1x2000xf32> -> vector<2000x1xf32>
    %mul3A = arith.mulf %transpose3A_19, %dot_general3A_13 : vector<2000x1xf32>
    %get3A_20 = arith.constant 0 : index
    %get3A_21 = arith.constant 0 : index
    %get3A_22 = vector.load %arg1[%get3A_20, %get3A_21] : memref<2000x256xf32, #tpu.memory_space<vmem>>, vector<2000x256xf32>
    %mul3A_23 = vector.broadcast %mul3A : vector<2000x1xf32> to vector<2000x256xf32>
    %mul3A_24 = arith.mulf %mul3A_23, %get3A_22 : vector<2000x256xf32>
    %swap3A = arith.constant 0 : index
    %swap3A_25 = arith.constant 0 : index
    %swap3A_26 = vector.load %arg5[%swap3A, %swap3A_25] : memref<2000x256xf32, #tpu.memory_space<vmem>>, vector<2000x256xf32>
    tpu.vector_store %arg5[%swap3A, %swap3A_25], %mul3A_24 {strides = array<i32>} : memref<2000x256xf32, #tpu.memory_space<vmem>>, vector<2000x256xf32>,
    return
  }
  func.func @transform_0(%arg0: i32) -> (i32, i32) {
    %c0_i32 = arith.constant 0 : i32
    %c0_i32_0 = arith.constant 0 : i32
    return %arg0, %c0_i32 : i32, i32
  }
  func.func @transform_1(%arg0: i32) -> (i32, i32, i32) {
    %c0_i32 = arith.constant 0 : i32
    %c0_i32_0 = arith.constant 0 : i32
    %c0_i32_1 = arith.constant 0 : i32
    return %arg0, %c0_i32, %c0_i32_0 : i32, i32, i32
  }
  func.func @transform_2(%arg0: i32) -> (i32, i32, i32) {
    %c0_i32 = arith.constant 0 : i32
    %c0_i32_0 = arith.constant 0 : i32
    %c0_i32_1 = arith.constant 0 : i32
    return %arg0, %c0_i32, %c0_i32_0 : i32, i32, i32
  }
  func.func @transform_3(%arg0: i32) -> (i32, i32) {
    %c0_i32 = arith.constant 0 : i32
    %c0_i32_0 = arith.constant 0 : i32
    %c0_i32_1 = arith.constant 0 : i32
    return %c0_i32, %c0_i32_0 : i32, i32
  }
  func.func @transform_4(%arg0: i32) -> (i32, i32) {
    %c0_i32 = arith.constant 0 : i32
    %c0_i32_0 = arith.constant 0 : i32
    return %arg0, %c0_i32 : i32, i32
  }
}

</mosaic_0001>

<sc_bundles>
// kernel: kernel.6.cloned.1.call-start
scs
__scs_entry_jumppad:
0x0: {  	(pc) =	sbr.rel $0x88, $3  }
0x1: {  	(tag) =	ssettag $0x0;
	lr =	simm.s32 $0x1  }
0x2: {  	[smem:$0x3F9B] =	sst lr;
	_ =	strace $0xD0000000  }
0x3: {  	_ = 	snop  }
0x4: {  	_ = 	snop  }
0x5: {  	_ = 	snop  }
0x6: {  	_ = 	snop  }
0x7: {  	_ = 	snop  }
__scs_overlays_trampoline_lowered:
0x8: {  	[smem:$0x3FAA] =	sst s0  }
0x9: {  	[smem:$0x3FAB] =	sst s1  }
0xa: {  	[smem:$0x3FAC] =	sst s2  }
0xb: {  	[smem:$0x3FAD] =	sst s3  }
0xc: {  	[smem:$0x3FAE] =	sst s4  }
0xd: {  	[smem:$0x3FAF] =	sst s5  }
0xe: {  	[smem:$0x3FB0] =	sst s6  }
0xf: {  	[smem:$0x3FB1] =	sst s7  }
0x10: {  	[smem:$0x3FB2] =	sst s8  }
0x11: {  	[smem:$0x3FB3] =	sst s9;
	s0 =	simm.s32 @!p0 $0x0  }
0x12: {  	s1 =	sld [smem:$0x3F99];
	s0 =	simm.s32 @p0 $0x1  }
0x13: {  	[smem:$0x3FB4] =	sst s0;
	s0 =	simm.s32 @!p1 $0x0  }
0x14: {  	s2 =	sld [smem:$0x3F98];
	s0 =	simm.s32 @p1 $0x1  }
0x15: {  	[smem:$0x3FB5] =	sst s0;
	s0 =	simm.s32 @!p2 $0x0  }
0x16: {  	s3 =	sld [smem:$0x3FDB];
	s0 =	simm.s32 @p2 $0x1  }
0x17: {  	s4 =	simm.s32 $0x1BF5;
	[smem:$0x3FB7] =	sst s0  }
0x18: {  	s0 =	sld [smem:$0x3F9A];
	_ =	swait.ge [sflag:s4], $0x0  }
0x19: {  	s7 =	sld [smem:$0x3F9B]  }
0x1a: {  	s8 =	sadd.s32 $0xFFFFE003, lr  }
0x1b: {  	s9 =	sadd.s32 $0xFFFFFEF7, lr;
	s5 =	simm.s32 $0xFFFFFFFF;
	p2 =	slt.u32 s8, $0xFFFFF086  }
0x1c: {  	p1 =	slt.u32 s9, $0xF7A;
	s5 =	simm.s32 @!p2 $0x0  }
0x1d: {  	s5 =	simm.s32 @p1 $0x1;
	p0 =	seq.s32 s7, s2  }
0x1e: {  	s7 =	smul.u32 @!p0 $0xF7A, s2;
	p2 =	seq.s32 @!p0 s5, $0x0  }
0x1f: {  	s9 =	smul.u32 $0xF7A, s1;
	s8 =	simm.s32 @!p0 $0x1BF5;
	p2 =	por !p2, p0  }
0x20: {  	[sflag:s8] =	ssyncset.s32 @!p0 $0xFFFFF086;
	s6 =	sadd.s32 @!p0 s3, s7;
	s7 =	simm.s32 @!p0 $0x108  }
0x21: {  	s3 =	sadd.s32 s3, s9;
	s6 =	sadd.s32 @!p0 $0x88, s6;
	s7 =	simm.s32 @p2 $0x1082  }
0x22: {  	[simem:s7], [sflag:s8] =	dma.local @!p0 [hbm:s6], $0xF7A  }
0x23: {  	s9 =	sor.u32 $0xD0000000, s2;
	s6 =	simm.s32 $0x108;
	_ =	swait.ge @!p0 [sflag:s8], $0x0  }
0x24: {  	s3 =	sadd.s32 $0x88, s3;
	s6 =	simm.s32 @!p1 $0x1082;
	[sflag:s4] =	ssyncset.s32 $0xFFFFF086  }
0x25: {  	[simem:s6], [sflag:s4] =	dma.local [hbm:s3], $0xF7A  }
0x26: {  	[smem:$0x3F9B] =	sst s1;
	(tag) =	ssettag s2;
	_ =	strace s9  }
0x27: {  	s1 =	sld [smem:$0x3FAB]  }
0x28: {  	s2 =	sld [smem:$0x3FAC]  }
0x29: {  	s4 =	sld [smem:$0x3FAE]  }
0x2a: {  	p0 =	seq.s32 s5, $0x0;
	s5 =	sld [smem:$0x3FAF]  }
0x2b: {  	s6 =	sld [smem:$0x3FB0]  }
0x2c: {  	s7 =	sld [smem:$0x3FB1]  }
0x2d: {  	s3 =	simm.s32 $0x108;
	s8 =	sld [smem:$0x3FB2]  }
0x2e: {  	s3 =	simm.s32 @!p0 $0x1082;
	s9 =	sld [smem:$0x3FB3]  }
0x2f: {  	lr =	sadd.s32 s0, s3;
	s0 =	sld [smem:$0x3FAA]  }
0x30: {  	s3 =	sld [smem:$0x3FAD]  }
0x31: {  	[smem:$0x3FB6] =	sst s10  }
0x32: {  	s10 =	sld [smem:$0x3FB4];
	_ =	sdelay $0x3  }
0x33: {  	p0 =	seq.s32 s10, $0x1;
	s10 =	sld [smem:$0x3FB6];
	_ =	sdelay $0x3  }
0x34: {  	[smem:$0x3FB6] =	sst s10  }
0x35: {  	s10 =	sld [smem:$0x3FB5];
	_ =	sdelay $0x3  }
0x36: {  	p1 =	seq.s32 s10, $0x1;
	s10 =	sld [smem:$0x3FB6];
	_ =	sdelay $0x3  }
0x37: {  	[smem:$0x3FB6] =	sst s10  }
0x38: {  	s10 =	sld [smem:$0x3FB7]  }
0x39: {  	_ = 	snop;
	(pc) =	sbr.ind lr, $3  }
0x3a: {  	_ = 	snop  }
0x3b: {  	_ = 	snop  }
0x3c: {  	p2 =	seq.s32 s10, $0x1;
	s10 =	sld [smem:$0x3FB6]  }
0x3d: {  	_ =	shalt  }
0x3e: {  	_ =	shalt  }
0x3f: {  	_ =	shalt  }
0x40: {  	_ =	shalt  }
0x41: {  	_ =	shalt  }
0x42: {  	_ =	shalt  }
0x43: {  	_ =	shalt  }
0x44: {  	_ =	shalt  }
0x45: {  	_ =	shalt  }
0x46: {  	_ =	shalt  }
0x47: {  	_ =	shalt  }
0x48: {  	_ =	shalt  }
0x49: {  	_ =	shalt  }
0x4a: {  	_ =	shalt  }
0x4b: {  	_ =	shalt  }
0x4c: {  	_ =	shalt  }
0x4d: {  	_ =	shalt  }
0x4e: {  	_ =	shalt  }
0x4f: {  	_ =	shalt  }
0x50: {  	_ =	shalt  }
0x51: {  	_ =	shalt  }
0x52: {  	_ =	shalt  }
0x53: {  	_ =	shalt  }
0x54: {  	_ =	shalt  }
0x55: {  	_ =	shalt  }
0x56: {  	_ =	shalt  }
0x57: {  	_ =	shalt  }
0x58: {  	_ =	shalt  }
0x59: {  	_ =	shalt  }
0x5a: {  	_ =	shalt  }
0x5b: {  	_ =	shalt  }
0x5c: {  	_ =	shalt  }
0x5d: {  	_ =	shalt  }
0x5e: {  	_ =	shalt  }
0x5f: {  	_ =	shalt  }
0x60: {  	_ =	shalt  }
0x61: {  	_ =	shalt  }
0x62: {  	_ =	shalt  }
0x63: {  	_ =	shalt  }
0x64: {  	_ =	shalt  }
0x65: {  	_ =	shalt  }
0x66: {  	_ =	shalt  }
0x67: {  	_ =	shalt  }
0x68: {  	_ =	shalt  }
0x69: {  	_ =	shalt  }
0x6a: {  	_ =	shalt  }
0x6b: {  	_ =	shalt  }
0x6c: {  	_ =	shalt  }
0x6d: {  	_ =	shalt  }
0x6e: {  	_ =	shalt  }
0x6f: {  	_ =	shalt  }
0x70: {  	_ =	shalt  }
0x71: {  	_ =	shalt  }
0x72: {  	_ =	shalt  }
0x73: {  	_ =	shalt  }
0x74: {  	_ =	shalt  }
0x75: {  	_ =	shalt  }
0x76: {  	_ =	shalt  }
0x77: {  	_ =	shalt  }
0x78: {  	_ =	shalt  }
0x79: {  	_ =	shalt  }
0x7a: {  	_ =	shalt  }
0x7b: {  	_ =	shalt  }
0x7c: {  	_ =	shalt  }
0x7d: {  	_ =	shalt  }
0x7e: {  	_ =	shalt  }
0x7f: {  	_ =	shalt  }
0x80: {  	_ =	shalt  }
0x81: {  	_ =	shalt  }
0x82: {  	_ =	shalt  }
0x83: {  	_ =	shalt  }
0x84: {  	_ =	shalt  }
0x85: {  	_ =	shalt  }
0x86: {  	_ =	shalt  }
0x87: {  	_ =	shalt  }
.Lfunc_end0:
.L_simem_size_0:
called_computation_lowered:
.L_overlay_start_0:
0x88: {  	s2 =	sld [smem:$0x3FD9]  }
0x89: {  	s3 =	sld [smem:$0x3FFE];
	_ =	sdelay $0x1  }
0x8a: {  	s1 =	srdreg.scid  }
0x8b: {  	s0 =	sand.u32 $0x1, s1  }
0x8c: {  	s17 =	sshll.u32 s0, $0xA;
	s2 =	sadd.s32 s3, s2  }
0x8d: {  	s2 =	sadd.s32 s2, s17  }
0x8e: {  	[smem:$0x3FC2] =	sst s2  }
0x8f: {  	_ = 	snop  }
0x90: {  	s2 =	sld [smem:$0x3FC8];
	(tm) =	ssettm $0x1  }
0x91: {  	s18 =	sld [smem:$0x3FFB];
	_ =	sdelay $0x3  }
0x92: {  	_ =	strace s18  }
0x93: {  	s3 =	sld [smem:$0x3FFC];
	_ =	sdelay $0x3  }
0x94: {  	_ =	strace s3  }
0x95: {  	s3 =	sld [smem:$0x3FFD];
	_ =	sdelay $0x3  }
0x96: {  	_ =	strace s3  }
0x97: {  	_ =	strace $0x8FFFFFFF  }
0x98: {  	s19 =	sld [smem:$0x3FDB];
	_ =	sdelay $0x1  }
0x99: {  	s4 =	simm.s32 $_scs_section_size  }
0x9a: {  	s5 =	simm.s32 $_size__tile_overlayer_lowered;
	s6 =	simm.s32 $_tile_overlayer_lowered  }
0x9b: {  	s22 =	simm.s32 $0x1BFF;
	s21 =	sshll.u32 s6, $0x1;
	s3 =	sadd.s32 s4, s19  }
0x9c: {  	s7 =	simm.s32 $0x0;
	s20 =	sshll.u32 s5, $0x1;
	s5 =	sadd.s32 s21, s3  }
0x9d: {  	[timem:s7], [sflag:s22] =	dma.local [hbm:s5], s20  }
0x9e: {  	_ =	swait.ge [sflag:s22], s20  }
0x9f: {  	s4 =	ssub.s32 $0x0, s20;
	[sflag:s22] =	ssyncset.done $0x0  }
0xa0: {  	[sflag:s22] =	ssyncadd.s32 s4;
	_ =	sdelay $0x1  }
0xa1: {  	s23 =	simm.s32 $0x1B8B  }
0xa2: {  	_ =	swait.ge [sflag:s23], $0x1  }
0xa3: {  	[sflag:s23] =	ssyncset.done $0x0  }
0xa4: {  	s25 =	simm.s32 $0x1B8E;
	s24 =	sld [smem:$0x3FFE];
	[sflag:s23] =	ssyncadd.s32 $0xFFFFFFFF  }
0xa5: {  	s26 =	simm.s32 $execute0_lowered;
	[smem:$0x3FD2] =	sst s25  }
0xa6: {  	s5 =	sshll.u32 s26, $0x1;
	_ =	strace $0x80000046;
	[dreg:$0x1] =	wrdreg $0xFFFFFFFF  }
0xa7: {  	s28 =	simm.s32 $_size_execute0_lowered;
	s3 =	sadd.s32 s3, s5;
	[dreg:$0x0] =	wrdreg $0x0  }
0xa8: {  	s5 =	sshll.u32 s28, $0x1;
	[dreg:$0x2] =	wrdreg s3  }
0xa9: {  	[dreg:$0x3] =	wrdreg s5  }
0xaa: {  	[dreg:$0x4] =	wrdreg $0xC0  }
0xab: {  	_ =	task [dreg:s7], $0x5FFFF  }
0xac: {  	[dreg:$0x1] =	wrdreg $0xFFFFFFFF  }
0xad: {  	[dreg:$0x0] =	wrdreg $0x60  }
0xae: {  	[dreg:$0x2] =	wrdreg s24  }
0xaf: {  	[dreg:$0x3] =	wrdreg s2  }
0xb0: {  	[dreg:$0x4] =	wrdreg $0x9  }
0xb1: {  	_ =	task.clear_ibuf [dreg:s7], $0x5FFFF;
	_ =	strace $0x90000046  }
0xb2: {  	s29 =	simm.s32 $0x9;
	_ =	strace $0x80000048  }
0xb3: {  	_ =	swait.ge [sflag:s29], $0x1  }
0xb4: {  	[sflag:s29] =	ssyncadd.s32 $0xFFFFFFFF  }
0xb5: {  	_ =	strace $0x90000048  }
0xb6: {  	_ =	sfence  }
0xb7: {  	s30 =	sld [smem:$0x0];
	_ =	sdelay $0x2  }
0xb8: {  	s31 =	sshll.u32 s1, $0xD;
	s1 =	sshrl.u32 s1, $0x2  }
0xb9: {  	s3 =	sand.u32 $0x4000, s31;
	s1 =	sadd.s32 s1, s30  }
0xba: {  	s0 =	sor.u32 s3, s0;
	s1 =	sshll.u32 s1, $0x11  }
0xbb: {  	s0 =	sor.u32 s1, s0  }
0xbc: {  	s0 =	sadd.s32 $0x8F2B, s0  }
0xbd: {  	[sflag:s0] =	ssyncadd.remote.s32 $0x1  }
0xbe: {  	_ =	sfence.sel $0xFFFF  }
0xbf: {  	[dreg:$0x0] =	wrdreg $0xFFFFFFFF;
	(pc) =	sbr.abs _section_cstart, $3  }
0xc0: {  	[dreg:$0x1] =	wrdreg $0xFFFFFFFF  }
0xc1: {  	_ =	task.clear_ibuf [dreg:s7], $0x2FFFF;
	_ =	strace $0x9FFFFFFF  }
0xc2: {  	(tm) =	ssettm $0x7FFFFFFF  }
0xc3: {  	_ =	shalt  }
tec
execute0_lowered:
.L_overlay_start_1:
0x0: {  	(tag) =	ssettag $0x1  }
0x1: {  	s6 =	rddreg [dreg:$0x0]  }
0x2: {  	s1 =	rddreg [dreg:$0x1]  }
0x3: {  	s0 =	rddreg [dreg:$0x2];
	s3 =	simm.s32 $0x0  }
0x4: {  	s2 =	stileid.u32;
	s5 =	srdreg.scid;
	s14 =	simm.s32 $0x800  }
0x5: {  	s15 =	simm.s32 $0x7800;
	s16 =	simm.s32 $0xF000;
	s17 =	simm.s32 $0x3  }
0x6: {  	s18 =	simm.s32 $0x0;
	[smem:$0x7FF] =	sst s3;
	s4 =	sadd.s32 $0x30E000, s6  }
0x7: {  	s7 =	sshll.u32 s2, $0xD;
	s9 =	sand.u32 $0x1, s5;
	s8 =	smul.u32 $0x186000, s2  }
0x8: {  	s11 =	smul.u32 $0x5000, s2;
	p0 =	sgt.u32 s2, $0x1;
	_ =	strace $0x80000047  }
0x9: {  	s10 =	ssub.s32 $0x2, s9;
	s5 =	sshll.u32 s9, $0xA;
	s12 =	sadd.s32 s7, s6  }
0xa: {  	s6 =	smul.u32 $0x1860, s2;
	s31 =	sshll.u32 s9, $0x11;
	s28 =	sshrl.u32 s10, $0x1  }
.Ltmp0:
0xb: {  	s29 =	sor.u32 s5, s8;
	s30 =	sor.u32 s5, s11;
	(pc) =	sbr.rel .LBB2_1-.Ltmp0, $4  }
0xc: {  	v0 =	vlaneseq.u32;
	s11 =	sadd.s32 s31, s12;
	s13 =	ssub.s32 s10, s28;
	s8 =	sshrl.u32 s29, $0x3  }
0xd: {  	v1 =	vimm.f32 $0.0e+00;
	v2 =	vor.u32 $0x10, v0;
	s10 =	sshrl.u32 s30, $0x3;
	s11 =	sadd.s32 $0xC00, s11;
	s7 =	sadd.s32 s4, s8  }
0xe: {  	v3 =	vor.u32 $0x20, v0;
	v4 =	vor.u32 $0x30, v0;
	v5 =	vor.u32 $0x40, v0;
	s8 =	sadd.s32 s1, s8;
	s10 =	sor.u32 $0x30C000, s10;
	s12 =	smax.u32 s13, $0x1  }
0xf: {  	v6 =	vor.u32 $0x50, v0;
	v7 =	vor.u32 $0x60, v0;
	v8 =	vor.u32 $0x70, v0;
	s13 =	simm.s32 $0x400;
	s9 =	sadd.s32 s4, s10;
	s10 =	sadd.s32 s1, s10  }
.LBB2_10:
0x10: {  	s18 =	sadd.s32 $0x1, s18  }
0x11: {  	p1 =	sne.s32 s18, s12  }
.Ltmp1:
0x12: {  	_ = 	snop;
	(pc) =	sbr.rel @!p1 .LBB2_11-.Ltmp1, $4  }
0x13: {  	[hbm4b:s11+s3] =	stream.linear.scatter [tilespmem:s16], [sflag:$0x3], $0x10000, $0x38;
	[tilespmem:$0x1F000] =	vst v63  }
0x14: {  	_ =	swait.ge [sflag:s17], $0x10000  }
0x15: {  	[sflag:s17] =	ssyncset.done $0x0  }
0x16: {  	[sflag:s17] =	ssyncadd.s32 $0xFFFF0000  }
.LBB2_1:
0x17: {  	s19 =	simm.s32 $0x0;
	s20 =	simm.s32 $0x200  }
.LBB2_2:
0x18: {  	p1 =	sne.s32 s20, $0x3FE00;
	[tilespmem:s19+$0xF070] =	vst v1  }
0x19: {  	[tilespmem:s19+$0xF000] =	vst v1  }
0x1a: {  	[tilespmem:s19+$0xF010] =	vst v1  }
.Ltmp2:
0x1b: {  	[tilespmem:s19+$0xF020] =	vst v1;
	(pc) =	sbr.rel @p1 .LBB2_2-.Ltmp2, $4  }
0x1c: {  	[tilespmem:s19+$0xF030] =	vst v1  }
0x1d: {  	[tilespmem:s19+$0xF040] =	vst v1  }
0x1e: {  	[tilespmem:s19+$0xF050] =	vst v1  }
0x1f: {  	[tilespmem:s19+$0xF060] =	vst v1;
	s19 =	sshra.s32 s20, $0x2;
	s20 =	sadd.s32 $0x200, s20  }
0x20: {  	[tilespmem:s19+$0xF070] =	vst v1  }
0x21: {  	[tilespmem:s19+$0xF000] =	vst v1  }
0x22: {  	[tilespmem:s19+$0xF010] =	vst v1  }
0x23: {  	[tilespmem:s19+$0xF020] =	vst v1  }
0x24: {  	[tilespmem:s19+$0xF030] =	vst v1  }
0x25: {  	[tilespmem:s19+$0xF040] =	vst v1  }
0x26: {  	[tilespmem:s19+$0xF050] =	vst v1  }
0x27: {  	[tilespmem:s19+$0xF060] =	vst v1;
	s19 =	simm.s32 $0x0  }
0x28: {  	[tilespmem:s19], [sflag:$0x1] =	stream.strided.gather [hbm4b:s7+s13], $0x3C00, s14, s13, $0x38;
	[tilespmem:$0x1F000] =	vst v63  }
0x29: {  	p1 =	por $0x0, $0x0  }
0x2a: {  	[tilespmem:s15], [sflag:$0x1] =	stream.strided.gather [hbm4b:s8+s13], $0x3C00, s14, s13, $0x38;
	[tilespmem:$0x1F000] =	vst v63  }
.LBB2_5:
0x2b: {  	s20 =	smov.u32 s19  }
0x2c: {  	s19 =	sadd.s32 $0x1, s19;
	p2 =	seq.s32 s20, $0x33  }
0x2d: {  	s21 =	smul.u32 @!p2 $0x78, s19;
	_ =	sdelay $0x1  }
0x2e: {  	s21 =	sadd.s32 @!p2 s6, s21  }
0x2f: {  	s21 =	sshll.u32 @!p2 s21, $0x8  }
0x30: {  	s20 =	sand.u32 $0x1, s20;
	s22 =	sand.u32 @!p2 $0x1, s19;
	s21 =	sor.u32 @!p2 s5, s21  }
0x31: {  	s23 =	sadd.s32 @!p2 $0x1, s22;
	s22 =	smul.u32 @!p2 $0x3C00, s22;
	s21 =	sshrl.u32 @!p2 s21, $0x3  }
0x32: {  	s25 =	simm.s32 @!p2 $0x400;
	s26 =	simm.s32 @!p2 $0x800;
	s24 =	sadd.s32 @!p2 s4, s21  }
0x33: {  	[tilespmem:s22], [sflag:s23] =	stream.strided.gather @!p2 [hbm4b:s24+s25], $0x3C00, s26, s25, $0x38;
	[tilespmem:$0x1F000] =	vst v63  }
0x34: {  	s20 =	sadd.s32 $0x1, s20;
	s21 =	sadd.s32 @!p2 s1, s21;
	s22 =	sadd.s32 @!p2 $0x7800, s22  }
0x35: {  	[tilespmem:s22], [sflag:s23] =	stream.strided.gather @!p2 [hbm4b:s21+s25], $0x3C00, s26, s25, $0x38;
	[tilespmem:$0x1F000] =	vst v63  }
0x36: {  	s21 =	simm.s32 $0x1;
	_ =	swait.ge [sflag:s20], $0x3C00  }
0x37: {  	s21 =	simm.s32 @!p1 $0x0;
	[sflag:s20] =	ssyncset.done $0x0  }
0x38: {  	s21 =	smul.u32 $0xF000, s21;
	[sflag:s20] =	ssyncadd.s32 $0xFFFFC400  }
0x39: {  	_ =	swait.ge [sflag:s20], $0x3C00  }
0x3a: {  	s21 =	sshrl.u32 s21, $0x2;
	[sflag:s20] =	ssyncset.done $0x0  }
0x3b: {  	s31 =	sadd.s32 $0x7A00, s21;
	[sflag:s20] =	ssyncadd.s32 $0xFFFFC400  }
0x3c: {  	v9 =	vld [tilespmem:s31+$0x180]  }
0x3d: {  	v10 =	vld [tilespmem:s31+$0xFFFFFE00]  }
0x3e: {  	v11 =	vld [tilespmem:s31+$0xFFFFFE80]  }
0x3f: {  	v12 =	vld [tilespmem:s31+$0xFFFFFF00]  }
0x40: {  	v13 =	vld [tilespmem:s31+$0xFFFFFF80]  }
0x41: {  	s20 =	sor.u32 $0x200, s21;
	v14 =	vld [tilespmem:s31+$0x0]  }
0x42: {  	v15 =	vld [tilespmem:s20+$0x180]  }
0x43: {  	v16 =	vld [tilespmem:s31+$0x80]  }
0x44: {  	v17 =	vld [tilespmem:s31+$0x100]  }
0x45: {  	v18 =	vld [tilespmem:s20+$0xFFFFFE80]  }
0x46: {  	v19 =	vld [tilespmem:s20+$0xFFFFFF00];
	v9 =	vshll.u32 v9, $0x7  }
0x47: {  	v47 =	vld [tilespmem:s20+$0xFFFFFF80];
	v11 =	vshll.u32 v11, $0x7;
	v9 =	vor.u32 v0, v9  }
0x48: {  	v20 =	vld [tilespmem:s20+$0x0];
	v12 =	vshll.u32 v12, $0x7;
	v11 =	vor.u32 v0, v11  }
0x49: {  	v21 =	vld [tilespmem:s20+$0x80];
	v13 =	vshll.u32 v13, $0x7;
	v12 =	vor.u32 v0, v12  }
0x4a: {  	v22 =	vld [tilespmem:s20+$0x100];
	v10 =	vshll.u32 v10, $0x7;
	v13 =	vor.u32 v0, v13  }
0x4b: {  	v23 =	vld [tilespmem:s20+$0xFFFFFE00];
	v48 =	vshll.u32 v16, $0x7;
	v10 =	vor.u32 v0, v10  }
0x4c: {  	v50 =	vshll.u32 v17, $0x7;
	v49 =	vor.u32 v0, v48;
	[tilespmem:v9+s16+$0x0] =	vst.idx.add.f32.msk $0xffff, v15  }
0x4d: {  	v51 =	vor.u32 v0, v50;
	[tilespmem:v11+s16+$0x0] =	vst.idx.add.f32.msk $0xffff, v18  }
0x4e: {  	[tilespmem:v12+s16+$0x0] =	vst.idx.add.f32.msk $0xffff, v19  }
0x4f: {  	[tilespmem:v13+s16+$0x0] =	vst.idx.add.f32.msk $0xffff, v47  }
0x50: {  	[tilespmem:v10+s16+$0x0] =	vst.idx.add.f32.msk $0xffff, v23  }
0x51: {  	[tilespmem:v49+s16+$0x0] =	vst.idx.add.f32.msk $0xffff, v21  }
0x52: {  	[tilespmem:v51+s16+$0x0] =	vst.idx.add.f32.msk $0xffff, v22  }
0x53: {  	v9 =	vld [tilespmem:s31+$0x190]  }
0x54: {  	v24 =	vld [tilespmem:s20+$0x190]  }
0x55: {  	v10 =	vld [tilespmem:s31+$0xFFFFFE10]  }
0x56: {  	v53 =	vld [tilespmem:s31+$0xFFFFFF10]  }
0x57: {  	v54 =	vld [tilespmem:s31+$0xFFFFFF90]  }
0x58: {  	v56 =	vld [tilespmem:s31+$0x90]  }
0x59: {  	v57 =	vld [tilespmem:s31+$0x110]  }
0x5a: {  	v14 =	vshll.u32 v14, $0x7;
	v58 =	vld [tilespmem:s20+$0xFFFFFE10]  }
0x5b: {  	v11 =	vor.u32 v0, v14;
	v18 =	vld [tilespmem:s20+$0xFFFFFE90];
	v9 =	vshll.u32 v9, $0x7  }
0x5c: {  	v19 =	vld [tilespmem:s20+$0xFFFFFF10];
	v9 =	vor.u32 v2, v9  }
0x5d: {  	v59 =	vld [tilespmem:s20+$0xFFFFFF90]  }
0x5e: {  	v62 =	vld [tilespmem:s20+$0x90]  }
0x5f: {  	v63 =	vld [tilespmem:s20+$0x110]  }
0x60: {  	[tilespmem:v11+s16+$0x0] =	vst.idx.add.f32.msk $0xffff, v20;
	v10 =	vshll.u32 v10, $0x7  }
0x61: {  	v13 =	vshll.u32 v53, $0x7;
	v10 =	vor.u32 v2, v10;
	[tilespmem:v9+s16+$0x0] =	vst.idx.add.f32.msk $0xffff, v24  }
0x62: {  	v13 =	vor.u32 v2, v13;
	v9 =	vld [tilespmem:s31+$0x1A0]  }
0x63: {  	v11 =	vld [tilespmem:s31+$0xFFFFFE90];
	v14 =	vshll.u32 v54, $0x7  }
0x64: {  	v55 =	vld [tilespmem:s31+$0x10];
	v14 =	vor.u32 v2, v14  }
0x65: {  	v61 =	vld [tilespmem:s20+$0x10]  }
0x66: {  	[tilespmem:v10+s16+$0x0] =	vst.idx.add.f32.msk $0xffff, v58  }
0x67: {  	[tilespmem:v13+s16+$0x0] =	vst.idx.add.f32.msk $0xffff, v19;
	v9 =	vshll.u32 v9, $0x7  }
0x68: {  	v52 =	vld [tilespmem:s20+$0x1A0];
	v9 =	vor.u32 v3, v9  }
0x69: {  	[tilespmem:v14+s16+$0x0] =	vst.idx.add.f32.msk $0xffff, v59  }
0x6a: {  	v11 =	vshll.u32 v11, $0x7;
	v13 =	vld [tilespmem:s31+$0xFFFFFF20]  }
0x6b: {  	v11 =	vor.u32 v2, v11;
	v15 =	vshll.u32 v55, $0x7;
	v17 =	vld [tilespmem:s20+$0xFFFFFE20]  }
0x6c: {  	v10 =	vor.u32 v2, v15;
	v35 =	vld [tilespmem:s20+$0xFFFFFF20]  }
0x6d: {  	[tilespmem:v9+s16+$0x0] =	vst.idx.add.f32.msk $0xffff, v52  }
0x6e: {  	v9 =	vld [tilespmem:s31+$0x1B0]  }
0x6f: {  	v36 =	vld [tilespmem:s20+$0xFFFFFFA0]  }
0x70: {  	[tilespmem:v11+s16+$0x0] =	vst.idx.add.f32.msk $0xffff, v18  }
0x71: {  	v12 =	vshll.u32 v57, $0x7;
	[tilespmem:v10+s16+$0x0] =	vst.idx.add.f32.msk $0xffff, v61  }
0x72: {  	v11 =	vor.u32 v2, v12;
	v29 =	vld [tilespmem:s31+$0xFFFFFEA0]  }
0x73: {  	v30 =	vld [tilespmem:s31+$0x20];
	v9 =	vshll.u32 v9, $0x7  }
0x74: {  	v60 =	vld [tilespmem:s20+$0x1B0];
	v9 =	vor.u32 v4, v9  }
0x75: {  	v34 =	vld [tilespmem:s20+$0xFFFFFEA0]  }
0x76: {  	v22 =	vld [tilespmem:s20+$0x20]  }
0x77: {  	[tilespmem:v11+s16+$0x0] =	vst.idx.add.f32.msk $0xffff, v63;
	v12 =	vshll.u32 v29, $0x7  }
0x78: {  	v11 =	vld [tilespmem:s31+$0xFFFFFE20];
	v12 =	vor.u32 v3, v12;
	v14 =	vshll.u32 v30, $0x7  }
0x79: {  	v27 =	vshll.u32 v56, $0x7;
	v14 =	vor.u32 v3, v14;
	[tilespmem:v9+s16+$0x0] =	vst.idx.add.f32.msk $0xffff, v60  }
0x7a: {  	v9 =	vor.u32 v2, v27;
	v28 =	vld [tilespmem:s31+$0x1C0]  }
0x7b: {  	v32 =	vld [tilespmem:s31+$0x120]  }
0x7c: {  	v39 =	vld [tilespmem:s20+$0x120]  }
0x7d: {  	[tilespmem:v12+s16+$0x0] =	vst.idx.add.f32.msk $0xffff, v34  }
0x7e: {  	[tilespmem:v14+s16+$0x0] =	vst.idx.add.f32.msk $0xffff, v22  }
0x7f: {  	[tilespmem:v9+s16+$0x0] =	vst.idx.add.f32.msk $0xffff, v62;
	v9 =	vshll.u32 v28, $0x7  }
0x80: {  	v10 =	vld [tilespmem:s20+$0x1C0];
	v9 =	vor.u32 v5, v9  }
0x81: {  	v19 =	vld [tilespmem:s20+$0xFFFFFEB0]  }
0x82: {  	v11 =	vshll.u32 v11, $0x7;
	v14 =	vld [tilespmem:s31+$0x30]  }
0x83: {  	v11 =	vor.u32 v3, v11;
	v31 =	vld [tilespmem:s31+$0xA0]  }
0x84: {  	v40 =	vshll.u32 v32, $0x7;
	v50 =	vld [tilespmem:s20+$0x30]  }
0x85: {  	v41 =	vor.u32 v3, v40;
	[tilespmem:v9+s16+$0x0] =	vst.idx.add.f32.msk $0xffff, v10  }
0x86: {  	v10 =	vld [tilespmem:s31+$0xFFFFFFA0]  }
0x87: {  	v9 =	vld [tilespmem:s31+$0x1D0]  }
0x88: {  	[tilespmem:v11+s16+$0x0] =	vst.idx.add.f32.msk $0xffff, v17;
	v15 =	vshll.u32 v31, $0x7  }
0x89: {  	v38 =	vld [tilespmem:s20+$0xA0];
	v11 =	vor.u32 v3, v15  }
0x8a: {  	[tilespmem:v41+s16+$0x0] =	vst.idx.add.f32.msk $0xffff, v39;
	v14 =	vshll.u32 v14, $0x7  }
0x8b: {  	v48 =	vld [tilespmem:s20+$0xFFFFFE30];
	v14 =	vor.u32 v4, v14;
	v10 =	vshll.u32 v10, $0x7  }
0x8c: {  	v47 =	vld [tilespmem:s31+$0x130];
	v9 =	vshll.u32 v9, $0x7;
	v10 =	vor.u32 v3, v10  }
0x8d: {  	v33 =	vld [tilespmem:s20+$0x1D0];
	v9 =	vor.u32 v6, v9  }
0x8e: {  	[tilespmem:v11+s16+$0x0] =	vst.idx.add.f32.msk $0xffff, v38  }
0x8f: {  	v46 =	vld [tilespmem:s31+$0xB0]  }
0x90: {  	[tilespmem:v14+s16+$0x0] =	vst.idx.add.f32.msk $0xffff, v50  }
0x91: {  	[tilespmem:v10+s16+$0x0] =	vst.idx.add.f32.msk $0xffff, v36  }
0x92: {  	[tilespmem:v9+s16+$0x0] =	vst.idx.add.f32.msk $0xffff, v33  }
0x93: {  	v13 =	vshll.u32 v13, $0x7;
	v44 =	vld [tilespmem:s31+$0xFFFFFFB0]  }
0x94: {  	v16 =	vshll.u32 v46, $0x7;
	v9 =	vor.u32 v3, v13;
	v37 =	vld [tilespmem:s31+$0x1E0]  }
0x95: {  	v51 =	vld [tilespmem:s20+$0xB0];
	v16 =	vor.u32 v4, v16  }
0x96: {  	v54 =	vld [tilespmem:s31+$0x40]  }
0x97: {  	v49 =	vld [tilespmem:s20+$0xFFFFFFB0]  }
0x98: {  	v42 =	vld [tilespmem:s20+$0x1E0];
	v13 =	vshll.u32 v44, $0x7  }
0x99: {  	[tilespmem:v9+s16+$0x0] =	vst.idx.add.f32.msk $0xffff, v35;
	v9 =	vshll.u32 v37, $0x7;
	v13 =	vor.u32 v4, v13  }
0x9a: {  	[tilespmem:v16+s16+$0x0] =	vst.idx.add.f32.msk $0xffff, v51;
	v9 =	vor.u32 v7, v9  }
0x9b: {  	v55 =	vld [tilespmem:s31+$0xC0]  }
0x9c: {  	v20 =	vld [tilespmem:s20+$0x40]  }
0x9d: {  	v11 =	vld [tilespmem:s31+$0xFFFFFEB0]  }
0x9e: {  	[tilespmem:v13+s16+$0x0] =	vst.idx.add.f32.msk $0xffff, v49  }
0x9f: {  	v13 =	vshll.u32 v54, $0x7;
	[tilespmem:v9+s16+$0x0] =	vst.idx.add.f32.msk $0xffff, v42  }
0xa0: {  	v14 =	vshll.u32 v55, $0x7;
	v13 =	vor.u32 v5, v13;
	v9 =	vld [tilespmem:s31+$0x1F0]  }
0xa1: {  	v21 =	vld [tilespmem:s20+$0xC0];
	v14 =	vor.u32 v5, v14  }
0xa2: {  	v10 =	vld [tilespmem:s31+$0xFFFFFE30]  }
0xa3: {  	v43 =	vld [tilespmem:s31+$0xFFFFFF30]  }
0xa4: {  	v45 =	vld [tilespmem:s20+$0x1F0]  }
0xa5: {  	[tilespmem:v13+s16+$0x0] =	vst.idx.add.f32.msk $0xffff, v20;
	v9 =	vshll.u32 v9, $0x7  }
0xa6: {  	[tilespmem:v14+s16+$0x0] =	vst.idx.add.f32.msk $0xffff, v21;
	v9 =	vor.u32 v8, v9  }
0xa7: {  	v13 =	vld [tilespmem:s31+$0x50]  }
0xa8: {  	v14 =	vld [tilespmem:s31+$0xD0]  }
0xa9: {  	v52 =	vld [tilespmem:s20+$0x130]  }
0xaa: {  	v10 =	vshll.u32 v10, $0x7;
	v53 =	vld [tilespmem:s31+$0xFFFFFFC0]  }
0xab: {  	v12 =	vshll.u32 v43, $0x7;
	[tilespmem:v9+s16+$0x0] =	vst.idx.add.f32.msk $0xffff, v45;
	v9 =	vor.u32 v4, v10  }
0xac: {  	v12 =	vor.u32 v4, v12;
	v13 =	vshll.u32 v13, $0x7;
	v10 =	vshll.u32 v11, $0x7;
	v11 =	vld [tilespmem:s20+$0xFFFFFF30]  }
0xad: {  	v20 =	vld [tilespmem:s20+$0x50];
	v14 =	vshll.u32 v14, $0x7;
	v13 =	vor.u32 v6, v13  }
0xae: {  	v21 =	vld [tilespmem:s20+$0xD0];
	v14 =	vor.u32 v6, v14  }
0xaf: {  	v60 =	vld [tilespmem:s20+$0xFFFFFFC0];
	v10 =	vor.u32 v4, v10  }
0xb0: {  	[tilespmem:v9+s16+$0x0] =	vst.idx.add.f32.msk $0xffff, v48  }
0xb1: {  	v17 =	vshll.u32 v47, $0x7;
	[tilespmem:v12+s16+$0x0] =	vst.idx.add.f32.msk $0xffff, v11  }
0xb2: {  	v9 =	vor.u32 v4, v17;
	[tilespmem:v13+s16+$0x0] =	vst.idx.add.f32.msk $0xffff, v20  }
0xb3: {  	[tilespmem:v14+s16+$0x0] =	vst.idx.add.f32.msk $0xffff, v21  }
0xb4: {  	[tilespmem:v10+s16+$0x0] =	vst.idx.add.f32.msk $0xffff, v19  }
0xb5: {  	v11 =	vld [tilespmem:s31+$0xFFFFFF40]  }
0xb6: {  	v57 =	vld [tilespmem:s20+$0xFFFFFE40]  }
0xb7: {  	[tilespmem:v9+s16+$0x0] =	vst.idx.add.f32.msk $0xffff, v52  }
0xb8: {  	v9 =	vld [tilespmem:s31+$0xFFFFFE40]  }
0xb9: {  	v59 =	vld [tilespmem:s20+$0xFFFFFF40]  }
0xba: {  	v13 =	vld [tilespmem:s31+$0x60]  }
0xbb: {  	v14 =	vld [tilespmem:s31+$0xE0]  }
0xbc: {  	v12 =	vshll.u32 v53, $0x7;
	v20 =	vld [tilespmem:s20+$0x60]  }
0xbd: {  	v12 =	vor.u32 v5, v12;
	v56 =	vld [tilespmem:s31+$0x140];
	v9 =	vshll.u32 v9, $0x7  }
0xbe: {  	v21 =	vld [tilespmem:s20+$0xE0];
	v9 =	vor.u32 v5, v9  }
0xbf: {  	v10 =	vld [tilespmem:s31+$0xFFFFFEC0]  }
0xc0: {  	v58 =	vld [tilespmem:s20+$0xFFFFFEC0];
	v11 =	vshll.u32 v11, $0x7  }
0xc1: {  	v22 =	vld [tilespmem:s20+$0x140];
	v13 =	vshll.u32 v13, $0x7;
	v11 =	vor.u32 v5, v11  }
0xc2: {  	[tilespmem:v12+s16+$0x0] =	vst.idx.add.f32.msk $0xffff, v60;
	v13 =	vor.u32 v7, v13;
	v15 =	vshll.u32 v56, $0x7  }
0xc3: {  	[tilespmem:v9+s16+$0x0] =	vst.idx.add.f32.msk $0xffff, v57;
	v9 =	vor.u32 v5, v15  }
0xc4: {  	v14 =	vshll.u32 v14, $0x7;
	v12 =	vld [tilespmem:s31+$0xFFFFFFD0]  }
0xc5: {  	v10 =	vshll.u32 v10, $0x7;
	v19 =	vld [tilespmem:s20+$0xFFFFFFD0];
	v14 =	vor.u32 v7, v14  }
0xc6: {  	v10 =	vor.u32 v5, v10;
	[tilespmem:v11+s16+$0x0] =	vst.idx.add.f32.msk $0xffff, v59  }
0xc7: {  	[tilespmem:v13+s16+$0x0] =	vst.idx.add.f32.msk $0xffff, v20  }
0xc8: {  	[tilespmem:v9+s16+$0x0] =	vst.idx.add.f32.msk $0xffff, v22  }
0xc9: {  	v9 =	vld [tilespmem:s31+$0xFFFFFE50]  }
0xca: {  	[tilespmem:v14+s16+$0x0] =	vst.idx.add.f32.msk $0xffff, v21  }
0xcb: {  	[tilespmem:v10+s16+$0x0] =	vst.idx.add.f32.msk $0xffff, v58  }
0xcc: {  	v11 =	vld [tilespmem:s31+$0xFFFFFF50]  }
0xcd: {  	v18 =	vld [tilespmem:s20+$0xFFFFFF50]  }
0xce: {  	v61 =	vld [tilespmem:s31+$0x150];
	v9 =	vshll.u32 v9, $0x7  }
0xcf: {  	v16 =	vld [tilespmem:s20+$0xFFFFFE50];
	v9 =	vor.u32 v6, v9  }
0xd0: {  	v13 =	vld [tilespmem:s31+$0x70]  }
0xd1: {  	v14 =	vld [tilespmem:s31+$0xF0]  }
0xd2: {  	v12 =	vshll.u32 v12, $0x7;
	v10 =	vld [tilespmem:s31+$0xFFFFFED0]  }
0xd3: {  	v12 =	vor.u32 v6, v12;
	v22 =	vld [tilespmem:s20+$0x150];
	v15 =	vshll.u32 v61, $0x7  }
0xd4: {  	[tilespmem:v9+s16+$0x0] =	vst.idx.add.f32.msk $0xffff, v16;
	v9 =	vor.u32 v6, v15  }
0xd5: {  	v20 =	vld [tilespmem:s20+$0x70]  }
0xd6: {  	v21 =	vld [tilespmem:s20+$0xF0]  }
0xd7: {  	v17 =	vld [tilespmem:s20+$0xFFFFFED0];
	v11 =	vshll.u32 v11, $0x7  }
0xd8: {  	[tilespmem:v12+s16+$0x0] =	vst.idx.add.f32.msk $0xffff, v19;
	v10 =	vshll.u32 v10, $0x7;
	v11 =	vor.u32 v6, v11  }
0xd9: {  	v10 =	vor.u32 v6, v10;
	[tilespmem:v9+s16+$0x0] =	vst.idx.add.f32.msk $0xffff, v22  }
0xda: {  	v9 =	vld [tilespmem:s31+$0xFFFFFE60]  }
0xdb: {  	v12 =	vld [tilespmem:s31+$0xFFFFFFE0]  }
0xdc: {  	v19 =	vld [tilespmem:s20+$0xFFFFFFE0]  }
0xdd: {  	v13 =	vshll.u32 v13, $0x7;
	[tilespmem:v11+s16+$0x0] =	vst.idx.add.f32.msk $0xffff, v18  }
0xde: {  	v13 =	vor.u32 v8, v13;
	[tilespmem:v10+s16+$0x0] =	vst.idx.add.f32.msk $0xffff, v17  }
0xdf: {  	v62 =	vld [tilespmem:s31+$0x160];
	v9 =	vshll.u32 v9, $0x7  }
0xe0: {  	v16 =	vld [tilespmem:s20+$0xFFFFFE60];
	v9 =	vor.u32 v7, v9  }
0xe1: {  	v11 =	vld [tilespmem:s31+$0xFFFFFF60]  }
0xe2: {  	v12 =	vshll.u32 v12, $0x7;
	v10 =	vld [tilespmem:s31+$0xFFFFFEE0]  }
0xe3: {  	[tilespmem:v13+s16+$0x0] =	vst.idx.add.f32.msk $0xffff, v20;
	v12 =	vor.u32 v7, v12  }
0xe4: {  	v22 =	vld [tilespmem:s20+$0x160];
	v15 =	vshll.u32 v62, $0x7  }
0xe5: {  	[tilespmem:v9+s16+$0x0] =	vst.idx.add.f32.msk $0xffff, v16;
	v9 =	vor.u32 v7, v15  }
0xe6: {  	v18 =	vld [tilespmem:s20+$0xFFFFFF60];
	v11 =	vshll.u32 v11, $0x7  }
0xe7: {  	v17 =	vld [tilespmem:s20+$0xFFFFFEE0];
	v10 =	vshll.u32 v10, $0x7;
	v11 =	vor.u32 v7, v11  }
0xe8: {  	[tilespmem:v12+s16+$0x0] =	vst.idx.add.f32.msk $0xffff, v19;
	v10 =	vor.u32 v7, v10  }
0xe9: {  	v12 =	vld [tilespmem:s31+$0xFFFFFFF0]  }
0xea: {  	[tilespmem:v9+s16+$0x0] =	vst.idx.add.f32.msk $0xffff, v22  }
0xeb: {  	v9 =	vld [tilespmem:s31+$0xFFFFFE70]  }
0xec: {  	[tilespmem:v11+s16+$0x0] =	vst.idx.add.f32.msk $0xffff, v18  }
0xed: {  	[tilespmem:v10+s16+$0x0] =	vst.idx.add.f32.msk $0xffff, v17  }
0xee: {  	v11 =	vld [tilespmem:s31+$0xFFFFFF70]  }
0xef: {  	v10 =	vld [tilespmem:s31+$0xFFFFFEF0]  }
0xf0: {  	v63 =	vld [tilespmem:s31+$0x170];
	v9 =	vshll.u32 v9, $0x7  }
0xf1: {  	v14 =	vshll.u32 v14, $0x7;
	v16 =	vld [tilespmem:s20+$0xFFFFFE70];
	v9 =	vor.u32 v8, v9  }
0xf2: {  	v14 =	vor.u32 v8, v14;
	v19 =	vld [tilespmem:s20+$0xFFFFFFF0];
	v12 =	vshll.u32 v12, $0x7  }
0xf3: {  	v18 =	vld [tilespmem:s20+$0xFFFFFF70];
	v12 =	vor.u32 v8, v12;
	v11 =	vshll.u32 v11, $0x7  }
0xf4: {  	v17 =	vld [tilespmem:s20+$0xFFFFFEF0];
	v10 =	vshll.u32 v10, $0x7;
	v11 =	vor.u32 v8, v11  }
0xf5: {  	v10 =	vor.u32 v8, v10;
	v22 =	vld [tilespmem:s20+$0x170];
	v15 =	vshll.u32 v63, $0x7  }
0xf6: {  	[tilespmem:v9+s16+$0x0] =	vst.idx.add.f32.msk $0xffff, v16;
	v9 =	vor.u32 v8, v15  }
0xf7: {  	[tilespmem:v14+s16+$0x0] =	vst.idx.add.f32.msk $0xffff, v21  }
0xf8: {  	[tilespmem:v12+s16+$0x0] =	vst.idx.add.f32.msk $0xffff, v19  }
0xf9: {  	[tilespmem:v11+s16+$0x0] =	vst.idx.add.f32.msk $0xffff, v18  }
0xfa: {  	[tilespmem:v10+s16+$0x0] =	vst.idx.add.f32.msk $0xffff, v17  }
0xfb: {  	s21 =	simm.s32 $0x0;
	s22 =	sadd.s32 $0x400, s31;
	[tilespmem:v9+s16+$0x0] =	vst.idx.add.f32.msk $0xffff, v22  }
.LBB2_6:
0xfc: {  	v9 =	vld [tilespmem:s22+$0x180];
	s21 =	sadd.s32 $0x8, s21  }
0xfd: {  	v10 =	vld [tilespmem:s22+$0xFFFFFE00];
	p2 =	slt.u32 s21, $0x70  }
0xfe: {  	v11 =	vld [tilespmem:s22+$0xFFFFFE80]  }
0xff: {  	v12 =	vld [tilespmem:s22+$0xFFFFFF00]  }
0x100: {  	v13 =	vld [tilespmem:s22+$0xFFFFFF80]  }
0x101: {  	s20 =	sadd.s32 $0x400, s20;
	v14 =	vld [tilespmem:s22+$0x0];
	v9 =	vshll.u32 v9, $0x7  }
0x102: {  	v10 =	vshll.u32 v10, $0x7;
	v15 =	vld [tilespmem:s20+$0x180];
	v9 =	vor.u32 v0, v9  }
0x103: {  	v10 =	vor.u32 v0, v10;
	v11 =	vshll.u32 v11, $0x7;
	v16 =	vld [tilespmem:s22+$0x80]  }
0x104: {  	v11 =	vor.u32 v0, v11;
	v12 =	vshll.u32 v12, $0x7;
	v17 =	vld [tilespmem:s22+$0x100]  }
0x105: {  	v18 =	vld [tilespmem:s20+$0xFFFFFE80];
	v12 =	vor.u32 v0, v12;
	v13 =	vshll.u32 v13, $0x7  }
0x106: {  	v19 =	vld [tilespmem:s20+$0xFFFFFF00];
	v13 =	vor.u32 v0, v13;
	v14 =	vshll.u32 v14, $0x7  }
0x107: {  	v14 =	vor.u32 v0, v14;
	[tilespmem:v9+s16+$0x0] =	vst.idx.add.f32.msk $0xffff, v15  }
0x108: {  	v9 =	vshll.u32 v16, $0x7;
	v15 =	vld [tilespmem:s22+$0x190]  }
0x109: {  	v16 =	vld [tilespmem:s20+$0xFFFFFF80];
	v9 =	vor.u32 v0, v9;
	v17 =	vshll.u32 v17, $0x7  }
0x10a: {  	v20 =	vld [tilespmem:s20+$0x0];
	v17 =	vor.u32 v0, v17  }
0x10b: {  	v21 =	vld [tilespmem:s20+$0x80]  }
0x10c: {  	v22 =	vld [tilespmem:s20+$0x100]  }
0x10d: {  	v23 =	vld [tilespmem:s20+$0xFFFFFE00];
	v15 =	vshll.u32 v15, $0x7  }
0x10e: {  	v24 =	vld [tilespmem:s20+$0x190];
	v15 =	vor.u32 v2, v15  }
0x10f: {  	[tilespmem:v11+s16+$0x0] =	vst.idx.add.f32.msk $0xffff, v18  }
0x110: {  	[tilespmem:v12+s16+$0x0] =	vst.idx.add.f32.msk $0xffff, v19  }
0x111: {  	[tilespmem:v13+s16+$0x0] =	vst.idx.add.f32.msk $0xffff, v16  }
0x112: {  	[tilespmem:v10+s16+$0x0] =	vst.idx.add.f32.msk $0xffff, v23  }
0x113: {  	[tilespmem:v15+s16+$0x0] =	vst.idx.add.f32.msk $0xffff, v24  }
0x114: {  	v10 =	vld [tilespmem:s22+$0x1A0]  }
0x115: {  	[tilespmem:v14+s16+$0x0] =	vst.idx.add.f32.msk $0xffff, v20  }
0x116: {  	[tilespmem:v9+s16+$0x0] =	vst.idx.add.f32.msk $0xffff, v21  }
0x117: {  	[tilespmem:v17+s16+$0x0] =	vst.idx.add.f32.msk $0xffff, v22  }
0x118: {  	v9 =	vld [tilespmem:s22+$0xFFFFFE10]  }
0x119: {  	v11 =	vld [tilespmem:s22+$0xFFFFFE90];
	v10 =	vshll.u32 v10, $0x7  }
0x11a: {  	v12 =	vld [tilespmem:s20+$0x1A0];
	v10 =	vor.u32 v3, v10  }
0x11b: {  	v13 =	vld [tilespmem:s22+$0xFFFFFF10]  }
0x11c: {  	v14 =	vld [tilespmem:s22+$0xFFFFFF90]  }
0x11d: {  	v9 =	vshll.u32 v9, $0x7;
	v15 =	vld [tilespmem:s22+$0x10]  }
0x11e: {  	v9 =	vor.u32 v2, v9;
	v11 =	vshll.u32 v11, $0x7;
	v16 =	vld [tilespmem:s22+$0x90]  }
0x11f: {  	v11 =	vor.u32 v2, v11;
	[tilespmem:v10+s16+$0x0] =	vst.idx.add.f32.msk $0xffff, v12  }
0x120: {  	v10 =	vshll.u32 v13, $0x7;
	v12 =	vld [tilespmem:s22+$0x1B0]  }
0x121: {  	v10 =	vor.u32 v2, v10;
	v13 =	vshll.u32 v14, $0x7;
	v14 =	vld [tilespmem:s22+$0x110]  }
0x122: {  	v17 =	vld [tilespmem:s20+$0xFFFFFE10];
	v13 =	vor.u32 v2, v13;
	v15 =	vshll.u32 v15, $0x7  }
0x123: {  	v18 =	vld [tilespmem:s20+$0xFFFFFE90];
	v15 =	vor.u32 v2, v15;
	v16 =	vshll.u32 v16, $0x7  }
0x124: {  	v19 =	vld [tilespmem:s20+$0xFFFFFF10];
	v16 =	vor.u32 v2, v16  }
0x125: {  	v20 =	vld [tilespmem:s20+$0xFFFFFF90];
	v12 =	vshll.u32 v12, $0x7  }
0x126: {  	v14 =	vshll.u32 v14, $0x7;
	v21 =	vld [tilespmem:s20+$0x1B0];
	v12 =	vor.u32 v4, v12  }
0x127: {  	v22 =	vld [tilespmem:s20+$0x10];
	v14 =	vor.u32 v2, v14  }
0x128: {  	v23 =	vld [tilespmem:s20+$0x90]  }
0x129: {  	v24 =	vld [tilespmem:s20+$0x110]  }
0x12a: {  	[tilespmem:v9+s16+$0x0] =	vst.idx.add.f32.msk $0xffff, v17  }
0x12b: {  	[tilespmem:v12+s16+$0x0] =	vst.idx.add.f32.msk $0xffff, v21  }
0x12c: {  	v9 =	vld [tilespmem:s22+$0x1C0]  }
0x12d: {  	[tilespmem:v11+s16+$0x0] =	vst.idx.add.f32.msk $0xffff, v18  }
0x12e: {  	[tilespmem:v10+s16+$0x0] =	vst.idx.add.f32.msk $0xffff, v19  }
0x12f: {  	[tilespmem:v13+s16+$0x0] =	vst.idx.add.f32.msk $0xffff, v20  }
0x130: {  	[tilespmem:v15+s16+$0x0] =	vst.idx.add.f32.msk $0xffff, v22  }
0x131: {  	[tilespmem:v16+s16+$0x0] =	vst.idx.add.f32.msk $0xffff, v23;
	v9 =	vshll.u32 v9, $0x7  }
0x132: {  	v10 =	vld [tilespmem:s20+$0x1C0];
	v9 =	vor.u32 v5, v9  }
0x133: {  	[tilespmem:v14+s16+$0x0] =	vst.idx.add.f32.msk $0xffff, v24  }
0x134: {  	v11 =	vld [tilespmem:s22+$0xFFFFFE20]  }
0x135: {  	v12 =	vld [tilespmem:s22+$0xFFFFFEA0]  }
0x136: {  	v13 =	vld [tilespmem:s22+$0xFFFFFF20]  }
0x137: {  	[tilespmem:v9+s16+$0x0] =	vst.idx.add.f32.msk $0xffff, v10  }
0x138: {  	v9 =	vld [tilespmem:s22+$0x1D0]  }
0x139: {  	v10 =	vshll.u32 v11, $0x7;
	v11 =	vld [tilespmem:s22+$0xFFFFFFA0]  }
0x13a: {  	v10 =	vor.u32 v3, v10;
	v12 =	vshll.u32 v12, $0x7;
	v14 =	vld [tilespmem:s22+$0x20]  }
0x13b: {  	v12 =	vor.u32 v3, v12;
	v13 =	vshll.u32 v13, $0x7;
	v15 =	vld [tilespmem:s22+$0xA0]  }
0x13c: {  	v13 =	vor.u32 v3, v13;
	v16 =	vld [tilespmem:s22+$0x120]  }
0x13d: {  	v17 =	vld [tilespmem:s20+$0xFFFFFE20];
	v9 =	vshll.u32 v9, $0x7  }
0x13e: {  	v11 =	vshll.u32 v11, $0x7;
	v18 =	vld [tilespmem:s20+$0x1D0];
	v9 =	vor.u32 v6, v9  }
0x13f: {  	v19 =	vld [tilespmem:s20+$0xFFFFFEA0];
	v11 =	vor.u32 v3, v11;
	v14 =	vshll.u32 v14, $0x7  }
0x140: {  	v20 =	vld [tilespmem:s20+$0xFFFFFF20];
	v14 =	vor.u32 v3, v14;
	v15 =	vshll.u32 v15, $0x7  }
0x141: {  	v21 =	vld [tilespmem:s20+$0xFFFFFFA0];
	v15 =	vor.u32 v3, v15;
	v16 =	vshll.u32 v16, $0x7  }
0x142: {  	v22 =	vld [tilespmem:s20+$0x20];
	v16 =	vor.u32 v3, v16  }
0x143: {  	[tilespmem:v9+s16+$0x0] =	vst.idx.add.f32.msk $0xffff, v18  }
0x144: {  	v9 =	vld [tilespmem:s22+$0x1E0]  }
0x145: {  	v18 =	vld [tilespmem:s20+$0xA0]  }
0x146: {  	v23 =	vld [tilespmem:s20+$0x120]  }
0x147: {  	[tilespmem:v10+s16+$0x0] =	vst.idx.add.f32.msk $0xffff, v17  }
0x148: {  	[tilespmem:v12+s16+$0x0] =	vst.idx.add.f32.msk $0xffff, v19  }
0x149: {  	[tilespmem:v13+s16+$0x0] =	vst.idx.add.f32.msk $0xffff, v20;
	v9 =	vshll.u32 v9, $0x7  }
0x14a: {  	v10 =	vld [tilespmem:s20+$0x1E0];
	v9 =	vor.u32 v7, v9  }
0x14b: {  	[tilespmem:v11+s16+$0x0] =	vst.idx.add.f32.msk $0xffff, v21  }
0x14c: {  	[tilespmem:v14+s16+$0x0] =	vst.idx.add.f32.msk $0xffff, v22  }
0x14d: {  	[tilespmem:v15+s16+$0x0] =	vst.idx.add.f32.msk $0xffff, v18  }
0x14e: {  	[tilespmem:v16+s16+$0x0] =	vst.idx.add.f32.msk $0xffff, v23  }
0x14f: {  	[tilespmem:v9+s16+$0x0] =	vst.idx.add.f32.msk $0xffff, v10  }
0x150: {  	v9 =	vld [tilespmem:s22+$0x1F0]  }
0x151: {  	v10 =	vld [tilespmem:s22+$0xFFFFFE30]  }
0x152: {  	v11 =	vld [tilespmem:s22+$0xFFFFFEB0]  }
0x153: {  	v12 =	vld [tilespmem:s22+$0xFFFFFF30]  }
0x154: {  	v13 =	vld [tilespmem:s22+$0xFFFFFFB0]  }
0x155: {  	v14 =	vld [tilespmem:s22+$0x30];
	v9 =	vshll.u32 v9, $0x7  }
0x156: {  	v10 =	vshll.u32 v10, $0x7;
	v15 =	vld [tilespmem:s20+$0x1F0];
	v9 =	vor.u32 v8, v9  }
0x157: {  	v10 =	vor.u32 v4, v10;
	v11 =	vshll.u32 v11, $0x7;
	v16 =	vld [tilespmem:s22+$0xB0]  }
0x158: {  	v11 =	vor.u32 v4, v11;
	v12 =	vshll.u32 v12, $0x7;
	v17 =	vld [tilespmem:s22+$0x130]  }
0x159: {  	v18 =	vld [tilespmem:s20+$0xFFFFFE30];
	v12 =	vor.u32 v4, v12;
	v13 =	vshll.u32 v13, $0x7  }
0x15a: {  	v19 =	vld [tilespmem:s20+$0xFFFFFEB0];
	v13 =	vor.u32 v4, v13;
	v14 =	vshll.u32 v14, $0x7  }
0x15b: {  	v14 =	vor.u32 v4, v14;
	[tilespmem:v9+s16+$0x0] =	vst.idx.add.f32.msk $0xffff, v15  }
0x15c: {  	v9 =	vld [tilespmem:s20+$0xFFFFFF30];
	v15 =	vshll.u32 v16, $0x7  }
0x15d: {  	v16 =	vld [tilespmem:s20+$0xFFFFFFB0];
	v15 =	vor.u32 v4, v15;
	v17 =	vshll.u32 v17, $0x7  }
0x15e: {  	v20 =	vld [tilespmem:s20+$0x30];
	v17 =	vor.u32 v4, v17  }
0x15f: {  	v21 =	vld [tilespmem:s20+$0xB0]  }
0x160: {  	v22 =	vld [tilespmem:s20+$0x130]  }
0x161: {  	[tilespmem:v10+s16+$0x0] =	vst.idx.add.f32.msk $0xffff, v18  }
0x162: {  	[tilespmem:v11+s16+$0x0] =	vst.idx.add.f32.msk $0xffff, v19  }
0x163: {  	[tilespmem:v12+s16+$0x0] =	vst.idx.add.f32.msk $0xffff, v9  }
0x164: {  	[tilespmem:v13+s16+$0x0] =	vst.idx.add.f32.msk $0xffff, v16  }
0x165: {  	[tilespmem:v14+s16+$0x0] =	vst.idx.add.f32.msk $0xffff, v20  }
0x166: {  	[tilespmem:v15+s16+$0x0] =	vst.idx.add.f32.msk $0xffff, v21  }
0x167: {  	[tilespmem:v17+s16+$0x0] =	vst.idx.add.f32.msk $0xffff, v22  }
0x168: {  	v9 =	vld [tilespmem:s22+$0xFFFFFE40]  }
0x169: {  	v10 =	vld [tilespmem:s22+$0xFFFFFEC0]  }
0x16a: {  	v11 =	vld [tilespmem:s22+$0xFFFFFF40]  }
0x16b: {  	v12 =	vld [tilespmem:s22+$0xFFFFFFC0]  }
0x16c: {  	v13 =	vld [tilespmem:s22+$0x40]  }
0x16d: {  	v9 =	vshll.u32 v9, $0x7;
	v14 =	vld [tilespmem:s22+$0xC0]  }
0x16e: {  	v9 =	vor.u32 v5, v9;
	v10 =	vshll.u32 v10, $0x7;
	v15 =	vld [tilespmem:s22+$0x140]  }
0x16f: {  	v16 =	vld [tilespmem:s20+$0xFFFFFE40];
	v10 =	vor.u32 v5, v10;
	v11 =	vshll.u32 v11, $0x7  }
0x170: {  	v17 =	vld [tilespmem:s20+$0xFFFFFEC0];
	v11 =	vor.u32 v5, v11;
	v12 =	vshll.u32 v12, $0x7  }
0x171: {  	v18 =	vld [tilespmem:s20+$0xFFFFFF40];
	v12 =	vor.u32 v5, v12;
	v13 =	vshll.u32 v13, $0x7  }
0x172: {  	v19 =	vld [tilespmem:s20+$0xFFFFFFC0];
	v13 =	vor.u32 v5, v13;
	v14 =	vshll.u32 v14, $0x7  }
0x173: {  	v20 =	vld [tilespmem:s20+$0x40];
	v14 =	vor.u32 v5, v14;
	v15 =	vshll.u32 v15, $0x7  }
0x174: {  	v21 =	vld [tilespmem:s20+$0xC0];
	v15 =	vor.u32 v5, v15  }
0x175: {  	v22 =	vld [tilespmem:s20+$0x140]  }
0x176: {  	[tilespmem:v9+s16+$0x0] =	vst.idx.add.f32.msk $0xffff, v16  }
0x177: {  	[tilespmem:v10+s16+$0x0] =	vst.idx.add.f32.msk $0xffff, v17  }
0x178: {  	[tilespmem:v11+s16+$0x0] =	vst.idx.add.f32.msk $0xffff, v18  }
0x179: {  	[tilespmem:v12+s16+$0x0] =	vst.idx.add.f32.msk $0xffff, v19  }
0x17a: {  	[tilespmem:v13+s16+$0x0] =	vst.idx.add.f32.msk $0xffff, v20  }
0x17b: {  	[tilespmem:v14+s16+$0x0] =	vst.idx.add.f32.msk $0xffff, v21  }
0x17c: {  	[tilespmem:v15+s16+$0x0] =	vst.idx.add.f32.msk $0xffff, v22  }
0x17d: {  	v9 =	vld [tilespmem:s22+$0xFFFFFE50]  }
0x17e: {  	v10 =	vld [tilespmem:s22+$0xFFFFFED0]  }
0x17f: {  	v11 =	vld [tilespmem:s22+$0xFFFFFF50]  }
0x180: {  	v12 =	vld [tilespmem:s22+$0xFFFFFFD0]  }
0x181: {  	v13 =	vld [tilespmem:s22+$0x50]  }
0x182: {  	v9 =	vshll.u32 v9, $0x7;
	v14 =	vld [tilespmem:s22+$0xD0]  }
0x183: {  	v9 =	vor.u32 v6, v9;
	v10 =	vshll.u32 v10, $0x7;
	v15 =	vld [tilespmem:s22+$0x150]  }
0x184: {  	v16 =	vld [tilespmem:s20+$0xFFFFFE50];
	v10 =	vor.u32 v6, v10;
	v11 =	vshll.u32 v11, $0x7  }
0x185: {  	v17 =	vld [tilespmem:s20+$0xFFFFFED0];
	v11 =	vor.u32 v6, v11;
	v12 =	vshll.u32 v12, $0x7  }
0x186: {  	v18 =	vld [tilespmem:s20+$0xFFFFFF50];
	v12 =	vor.u32 v6, v12;
	v13 =	vshll.u32 v13, $0x7  }
0x187: {  	v19 =	vld [tilespmem:s20+$0xFFFFFFD0];
	v13 =	vor.u32 v6, v13;
	v14 =	vshll.u32 v14, $0x7  }
0x188: {  	v20 =	vld [tilespmem:s20+$0x50];
	v14 =	vor.u32 v6, v14;
	v15 =	vshll.u32 v15, $0x7  }
0x189: {  	v21 =	vld [tilespmem:s20+$0xD0];
	v15 =	vor.u32 v6, v15  }
0x18a: {  	v22 =	vld [tilespmem:s20+$0x150]  }
0x18b: {  	[tilespmem:v9+s16+$0x0] =	vst.idx.add.f32.msk $0xffff, v16  }
0x18c: {  	[tilespmem:v10+s16+$0x0] =	vst.idx.add.f32.msk $0xffff, v17  }
0x18d: {  	[tilespmem:v11+s16+$0x0] =	vst.idx.add.f32.msk $0xffff, v18  }
0x18e: {  	[tilespmem:v12+s16+$0x0] =	vst.idx.add.f32.msk $0xffff, v19  }
0x18f: {  	[tilespmem:v13+s16+$0x0] =	vst.idx.add.f32.msk $0xffff, v20  }
0x190: {  	[tilespmem:v14+s16+$0x0] =	vst.idx.add.f32.msk $0xffff, v21  }
0x191: {  	[tilespmem:v15+s16+$0x0] =	vst.idx.add.f32.msk $0xffff, v22  }
0x192: {  	v9 =	vld [tilespmem:s22+$0xFFFFFE60]  }
0x193: {  	v10 =	vld [tilespmem:s22+$0xFFFFFEE0]  }
0x194: {  	v11 =	vld [tilespmem:s22+$0xFFFFFF60]  }
0x195: {  	v12 =	vld [tilespmem:s22+$0xFFFFFFE0]  }
0x196: {  	v13 =	vld [tilespmem:s22+$0x60]  }
0x197: {  	v9 =	vshll.u32 v9, $0x7;
	v14 =	vld [tilespmem:s22+$0xE0]  }
0x198: {  	v9 =	vor.u32 v7, v9;
	v10 =	vshll.u32 v10, $0x7;
	v15 =	vld [tilespmem:s22+$0x160]  }
0x199: {  	v16 =	vld [tilespmem:s20+$0xFFFFFE60];
	v10 =	vor.u32 v7, v10;
	v11 =	vshll.u32 v11, $0x7  }
0x19a: {  	v17 =	vld [tilespmem:s20+$0xFFFFFEE0];
	v11 =	vor.u32 v7, v11;
	v12 =	vshll.u32 v12, $0x7  }
0x19b: {  	v18 =	vld [tilespmem:s20+$0xFFFFFF60];
	v12 =	vor.u32 v7, v12;
	v13 =	vshll.u32 v13, $0x7  }
0x19c: {  	v19 =	vld [tilespmem:s20+$0xFFFFFFE0];
	v13 =	vor.u32 v7, v13;
	v14 =	vshll.u32 v14, $0x7  }
0x19d: {  	v20 =	vld [tilespmem:s20+$0x60];
	v14 =	vor.u32 v7, v14;
	v15 =	vshll.u32 v15, $0x7  }
0x19e: {  	v21 =	vld [tilespmem:s20+$0xE0];
	v15 =	vor.u32 v7, v15  }
0x19f: {  	v22 =	vld [tilespmem:s20+$0x160]  }
0x1a0: {  	[tilespmem:v9+s16+$0x0] =	vst.idx.add.f32.msk $0xffff, v16  }
0x1a1: {  	[tilespmem:v10+s16+$0x0] =	vst.idx.add.f32.msk $0xffff, v17  }
0x1a2: {  	[tilespmem:v11+s16+$0x0] =	vst.idx.add.f32.msk $0xffff, v18  }
0x1a3: {  	[tilespmem:v12+s16+$0x0] =	vst.idx.add.f32.msk $0xffff, v19  }
0x1a4: {  	[tilespmem:v13+s16+$0x0] =	vst.idx.add.f32.msk $0xffff, v20  }
0x1a5: {  	[tilespmem:v14+s16+$0x0] =	vst.idx.add.f32.msk $0xffff, v21  }
0x1a6: {  	[tilespmem:v15+s16+$0x0] =	vst.idx.add.f32.msk $0xffff, v22  }
0x1a7: {  	v9 =	vld [tilespmem:s22+$0xFFFFFE70]  }
0x1a8: {  	v10 =	vld [tilespmem:s22+$0xFFFFFEF0]  }
0x1a9: {  	v11 =	vld [tilespmem:s22+$0xFFFFFF70]  }
0x1aa: {  	v12 =	vld [tilespmem:s22+$0xFFFFFFF0]  }
0x1ab: {  	v13 =	vld [tilespmem:s22+$0x70]  }
0x1ac: {  	v9 =	vshll.u32 v9, $0x7;
	v14 =	vld [tilespmem:s22+$0xF0]  }
0x1ad: {  	v9 =	vor.u32 v8, v9;
	v10 =	vshll.u32 v10, $0x7;
	v15 =	vld [tilespmem:s22+$0x170]  }
0x1ae: {  	v16 =	vld [tilespmem:s20+$0xFFFFFE70];
	v10 =	vor.u32 v8, v10;
	v11 =	vshll.u32 v11, $0x7  }
0x1af: {  	v17 =	vld [tilespmem:s20+$0xFFFFFEF0];
	v11 =	vor.u32 v8, v11;
	v12 =	vshll.u32 v12, $0x7  }
0x1b0: {  	v18 =	vld [tilespmem:s20+$0xFFFFFF70];
	v12 =	vor.u32 v8, v12;
	v13 =	vshll.u32 v13, $0x7  }
0x1b1: {  	v19 =	vld [tilespmem:s20+$0xFFFFFFF0];
	v13 =	vor.u32 v8, v13;
	v14 =	vshll.u32 v14, $0x7  }
0x1b2: {  	v20 =	vld [tilespmem:s20+$0x70];
	v14 =	vor.u32 v8, v14;
	v15 =	vshll.u32 v15, $0x7  }
0x1b3: {  	v21 =	vld [tilespmem:s20+$0xF0];
	v15 =	vor.u32 v8, v15  }
0x1b4: {  	v22 =	vld [tilespmem:s20+$0x170]  }
0x1b5: {  	[tilespmem:v9+s16+$0x0] =	vst.idx.add.f32.msk $0xffff, v16  }
0x1b6: {  	[tilespmem:v10+s16+$0x0] =	vst.idx.add.f32.msk $0xffff, v17  }
.Ltmp3:
0x1b7: {  	[tilespmem:v11+s16+$0x0] =	vst.idx.add.f32.msk $0xffff, v18;
	(pc) =	sbr.rel @p2 .LBB2_6-.Ltmp3, $4  }
0x1b8: {  	[tilespmem:v12+s16+$0x0] =	vst.idx.add.f32.msk $0xffff, v19  }
0x1b9: {  	[tilespmem:v13+s16+$0x0] =	vst.idx.add.f32.msk $0xffff, v20  }
0x1ba: {  	[tilespmem:v14+s16+$0x0] =	vst.idx.add.f32.msk $0xffff, v21  }
0x1bb: {  	s22 =	sadd.s32 $0x400, s22;
	[tilespmem:v15+s16+$0x0] =	vst.idx.add.f32.msk $0xffff, v22  }
0x1bc: {  	p2 =	seq.s32 s19, $0x34  }
.Ltmp4:
0x1bd: {  	_ = 	snop;
	(pc) =	sbr.rel @!p2 .LBB2_5-.Ltmp4, $2  }
0x1be: {  	_ =	sdelay $0x2  }
0x1bf: {  	p1 =	por !p1, !p1  }
.Ltmp5:
0x1c0: {  	(pc) =	sbr.rel @p0 .LBB2_10-.Ltmp5, $1  }
0x1c1: {  	_ =	sdelay $0x3  }
0x1c2: {  	[tilespmem:s3], [sflag:$0x3] =	stream.strided.gather [hbm4b:s9+s13], $0x2800, s14, s13, $0x38;
	[tilespmem:$0x1F000] =	vst v63  }
0x1c3: {  	_ =	swait.ge [sflag:s17], $0x2800  }
0x1c4: {  	[sflag:s17] =	ssyncset.done $0x0  }
0x1c5: {  	[sflag:s17] =	ssyncadd.s32 $0xFFFFD800  }
0x1c6: {  	[tilespmem:s15], [sflag:$0x3] =	stream.strided.gather [hbm4b:s10+s13], $0x2800, s14, s13, $0x38;
	[tilespmem:$0x1F000] =	vst v63  }
0x1c7: {  	_ =	swait.ge [sflag:s17], $0x2800  }
0x1c8: {  	[sflag:s17] =	ssyncset.done $0x0  }
0x1c9: {  	s20 =	simm.s32 $0x7A00;
	[sflag:s17] =	ssyncadd.s32 $0xFFFFD800  }
0x1ca: {  	v9 =	vld [tilespmem:s20+$0x180]  }
0x1cb: {  	v10 =	vld [tilespmem:s20+$0xFFFFFE00]  }
0x1cc: {  	v11 =	vld [tilespmem:s20+$0xFFFFFE80]  }
0x1cd: {  	v12 =	vld [tilespmem:s20+$0xFFFFFF00]  }
0x1ce: {  	v13 =	vld [tilespmem:s20+$0xFFFFFF80]  }
0x1cf: {  	s19 =	simm.s32 $0x200;
	v14 =	vld [tilespmem:s20+$0x0]  }
0x1d0: {  	v15 =	vld [tilespmem:s19+$0x180]  }
0x1d1: {  	v16 =	vld [tilespmem:s20+$0x80]  }
0x1d2: {  	v17 =	vld [tilespmem:s20+$0x100]  }
0x1d3: {  	v18 =	vld [tilespmem:s19+$0xFFFFFE80]  }
0x1d4: {  	v19 =	vld [tilespmem:s19+$0xFFFFFF00];
	v9 =	vshll.u32 v9, $0x7  }
0x1d5: {  	v47 =	vld [tilespmem:s19+$0xFFFFFF80];
	v11 =	vshll.u32 v11, $0x7;
	v9 =	vor.u32 v0, v9  }
0x1d6: {  	v20 =	vld [tilespmem:s19+$0x0];
	v12 =	vshll.u32 v12, $0x7;
	v11 =	vor.u32 v0, v11  }
0x1d7: {  	v21 =	vld [tilespmem:s19+$0x80];
	v13 =	vshll.u32 v13, $0x7;
	v12 =	vor.u32 v0, v12  }
0x1d8: {  	v22 =	vld [tilespmem:s19+$0x100];
	v10 =	vshll.u32 v10, $0x7;
	v13 =	vor.u32 v0, v13  }
0x1d9: {  	v23 =	vld [tilespmem:s19+$0xFFFFFE00];
	v48 =	vshll.u32 v16, $0x7;
	v10 =	vor.u32 v0, v10  }
0x1da: {  	v50 =	vshll.u32 v17, $0x7;
	v49 =	vor.u32 v0, v48;
	[tilespmem:v9+s16+$0x0] =	vst.idx.add.f32.msk $0xffff, v15  }
0x1db: {  	v51 =	vor.u32 v0, v50;
	[tilespmem:v11+s16+$0x0] =	vst.idx.add.f32.msk $0xffff, v18  }
0x1dc: {  	[tilespmem:v12+s16+$0x0] =	vst.idx.add.f32.msk $0xffff, v19  }
0x1dd: {  	[tilespmem:v13+s16+$0x0] =	vst.idx.add.f32.msk $0xffff, v47  }
0x1de: {  	[tilespmem:v10+s16+$0x0] =	vst.idx.add.f32.msk $0xffff, v23  }
0x1df: {  	[tilespmem:v49+s16+$0x0] =	vst.idx.add.f32.msk $0xffff, v21  }
0x1e0: {  	[tilespmem:v51+s16+$0x0] =	vst.idx.add.f32.msk $0xffff, v22  }
0x1e1: {  	v9 =	vld [tilespmem:s20+$0x190]  }
0x1e2: {  	v24 =	vld [tilespmem:s19+$0x190]  }
0x1e3: {  	v10 =	vld [tilespmem:s20+$0xFFFFFE10]  }
0x1e4: {  	v53 =	vld [tilespmem:s20+$0xFFFFFF10]  }
0x1e5: {  	v54 =	vld [tilespmem:s20+$0xFFFFFF90]  }
0x1e6: {  	v56 =	vld [tilespmem:s20+$0x90]  }
0x1e7: {  	v57 =	vld [tilespmem:s20+$0x110]  }
0x1e8: {  	v14 =	vshll.u32 v14, $0x7;
	v58 =	vld [tilespmem:s19+$0xFFFFFE10]  }
0x1e9: {  	v11 =	vor.u32 v0, v14;
	v18 =	vld [tilespmem:s19+$0xFFFFFE90];
	v9 =	vshll.u32 v9, $0x7  }
0x1ea: {  	v19 =	vld [tilespmem:s19+$0xFFFFFF10];
	v9 =	vor.u32 v2, v9  }
0x1eb: {  	v59 =	vld [tilespmem:s19+$0xFFFFFF90]  }
0x1ec: {  	v62 =	vld [tilespmem:s19+$0x90]  }
0x1ed: {  	v63 =	vld [tilespmem:s19+$0x110]  }
0x1ee: {  	[tilespmem:v11+s16+$0x0] =	vst.idx.add.f32.msk $0xffff, v20;
	v10 =	vshll.u32 v10, $0x7  }
0x1ef: {  	v13 =	vshll.u32 v53, $0x7;
	v10 =	vor.u32 v2, v10;
	[tilespmem:v9+s16+$0x0] =	vst.idx.add.f32.msk $0xffff, v24  }
0x1f0: {  	v13 =	vor.u32 v2, v13;
	v9 =	vld [tilespmem:s20+$0x1A0]  }
0x1f1: {  	v11 =	vld [tilespmem:s20+$0xFFFFFE90];
	v14 =	vshll.u32 v54, $0x7  }
0x1f2: {  	v55 =	vld [tilespmem:s20+$0x10];
	v14 =	vor.u32 v2, v14  }
0x1f3: {  	v61 =	vld [tilespmem:s19+$0x10]  }
0x1f4: {  	[tilespmem:v10+s16+$0x0] =	vst.idx.add.f32.msk $0xffff, v58  }
0x1f5: {  	[tilespmem:v13+s16+$0x0] =	vst.idx.add.f32.msk $0xffff, v19;
	v9 =	vshll.u32 v9, $0x7  }
0x1f6: {  	v52 =	vld [tilespmem:s19+$0x1A0];
	v9 =	vor.u32 v3, v9  }
0x1f7: {  	[tilespmem:v14+s16+$0x0] =	vst.idx.add.f32.msk $0xffff, v59  }
0x1f8: {  	v11 =	vshll.u32 v11, $0x7;
	v13 =	vld [tilespmem:s20+$0xFFFFFF20]  }
0x1f9: {  	v11 =	vor.u32 v2, v11;
	v15 =	vshll.u32 v55, $0x7;
	v17 =	vld [tilespmem:s19+$0xFFFFFE20]  }
0x1fa: {  	v10 =	vor.u32 v2, v15;
	v35 =	vld [tilespmem:s19+$0xFFFFFF20]  }
0x1fb: {  	[tilespmem:v9+s16+$0x0] =	vst.idx.add.f32.msk $0xffff, v52  }
0x1fc: {  	v9 =	vld [tilespmem:s20+$0x1B0]  }
0x1fd: {  	v36 =	vld [tilespmem:s19+$0xFFFFFFA0]  }
0x1fe: {  	[tilespmem:v11+s16+$0x0] =	vst.idx.add.f32.msk $0xffff, v18  }
0x1ff: {  	v12 =	vshll.u32 v57, $0x7;
	[tilespmem:v10+s16+$0x0] =	vst.idx.add.f32.msk $0xffff, v61  }
0x200: {  	v11 =	vor.u32 v2, v12;
	v29 =	vld [tilespmem:s20+$0xFFFFFEA0]  }
0x201: {  	v30 =	vld [tilespmem:s20+$0x20];
	v9 =	vshll.u32 v9, $0x7  }
0x202: {  	v60 =	vld [tilespmem:s19+$0x1B0];
	v9 =	vor.u32 v4, v9  }
0x203: {  	v34 =	vld [tilespmem:s19+$0xFFFFFEA0]  }
0x204: {  	v22 =	vld [tilespmem:s19+$0x20]  }
0x205: {  	[tilespmem:v11+s16+$0x0] =	vst.idx.add.f32.msk $0xffff, v63;
	v12 =	vshll.u32 v29, $0x7  }
0x206: {  	v11 =	vld [tilespmem:s20+$0xFFFFFE20];
	v12 =	vor.u32 v3, v12;
	v14 =	vshll.u32 v30, $0x7  }
0x207: {  	v27 =	vshll.u32 v56, $0x7;
	v14 =	vor.u32 v3, v14;
	[tilespmem:v9+s16+$0x0] =	vst.idx.add.f32.msk $0xffff, v60  }
0x208: {  	v9 =	vor.u32 v2, v27;
	v28 =	vld [tilespmem:s20+$0x1C0]  }
0x209: {  	v32 =	vld [tilespmem:s20+$0x120]  }
0x20a: {  	v39 =	vld [tilespmem:s19+$0x120]  }
0x20b: {  	[tilespmem:v12+s16+$0x0] =	vst.idx.add.f32.msk $0xffff, v34  }
0x20c: {  	[tilespmem:v14+s16+$0x0] =	vst.idx.add.f32.msk $0xffff, v22  }
0x20d: {  	[tilespmem:v9+s16+$0x0] =	vst.idx.add.f32.msk $0xffff, v62;
	v9 =	vshll.u32 v28, $0x7  }
0x20e: {  	v10 =	vld [tilespmem:s19+$0x1C0];
	v9 =	vor.u32 v5, v9  }
0x20f: {  	v19 =	vld [tilespmem:s19+$0xFFFFFEB0]  }
0x210: {  	v11 =	vshll.u32 v11, $0x7;
	v14 =	vld [tilespmem:s20+$0x30]  }
0x211: {  	v11 =	vor.u32 v3, v11;
	v31 =	vld [tilespmem:s20+$0xA0]  }
0x212: {  	v40 =	vshll.u32 v32, $0x7;
	v50 =	vld [tilespmem:s19+$0x30]  }
0x213: {  	v41 =	vor.u32 v3, v40;
	[tilespmem:v9+s16+$0x0] =	vst.idx.add.f32.msk $0xffff, v10  }
0x214: {  	v10 =	vld [tilespmem:s20+$0xFFFFFFA0]  }
0x215: {  	v9 =	vld [tilespmem:s20+$0x1D0]  }
0x216: {  	[tilespmem:v11+s16+$0x0] =	vst.idx.add.f32.msk $0xffff, v17;
	v15 =	vshll.u32 v31, $0x7  }
0x217: {  	v38 =	vld [tilespmem:s19+$0xA0];
	v11 =	vor.u32 v3, v15  }
0x218: {  	[tilespmem:v41+s16+$0x0] =	vst.idx.add.f32.msk $0xffff, v39;
	v14 =	vshll.u32 v14, $0x7  }
0x219: {  	v48 =	vld [tilespmem:s19+$0xFFFFFE30];
	v14 =	vor.u32 v4, v14;
	v10 =	vshll.u32 v10, $0x7  }
0x21a: {  	v47 =	vld [tilespmem:s20+$0x130];
	v9 =	vshll.u32 v9, $0x7;
	v10 =	vor.u32 v3, v10  }
0x21b: {  	v33 =	vld [tilespmem:s19+$0x1D0];
	v9 =	vor.u32 v6, v9  }
0x21c: {  	[tilespmem:v11+s16+$0x0] =	vst.idx.add.f32.msk $0xffff, v38  }
0x21d: {  	v46 =	vld [tilespmem:s20+$0xB0]  }
0x21e: {  	[tilespmem:v14+s16+$0x0] =	vst.idx.add.f32.msk $0xffff, v50  }
0x21f: {  	[tilespmem:v10+s16+$0x0] =	vst.idx.add.f32.msk $0xffff, v36  }
0x220: {  	[tilespmem:v9+s16+$0x0] =	vst.idx.add.f32.msk $0xffff, v33  }
0x221: {  	v13 =	vshll.u32 v13, $0x7;
	v44 =	vld [tilespmem:s20+$0xFFFFFFB0]  }
0x222: {  	v16 =	vshll.u32 v46, $0x7;
	v9 =	vor.u32 v3, v13;
	v37 =	vld [tilespmem:s20+$0x1E0]  }
0x223: {  	v51 =	vld [tilespmem:s19+$0xB0];
	v16 =	vor.u32 v4, v16  }
0x224: {  	v54 =	vld [tilespmem:s20+$0x40]  }
0x225: {  	v49 =	vld [tilespmem:s19+$0xFFFFFFB0]  }
0x226: {  	v42 =	vld [tilespmem:s19+$0x1E0];
	v13 =	vshll.u32 v44, $0x7  }
0x227: {  	[tilespmem:v9+s16+$0x0] =	vst.idx.add.f32.msk $0xffff, v35;
	v9 =	vshll.u32 v37, $0x7;
	v13 =	vor.u32 v4, v13  }
0x228: {  	[tilespmem:v16+s16+$0x0] =	vst.idx.add.f32.msk $0xffff, v51;
	v9 =	vor.u32 v7, v9  }
0x229: {  	v55 =	vld [tilespmem:s20+$0xC0]  }
0x22a: {  	v20 =	vld [tilespmem:s19+$0x40]  }
0x22b: {  	v11 =	vld [tilespmem:s20+$0xFFFFFEB0]  }
0x22c: {  	[tilespmem:v13+s16+$0x0] =	vst.idx.add.f32.msk $0xffff, v49  }
0x22d: {  	v13 =	vshll.u32 v54, $0x7;
	[tilespmem:v9+s16+$0x0] =	vst.idx.add.f32.msk $0xffff, v42  }
0x22e: {  	v14 =	vshll.u32 v55, $0x7;
	v13 =	vor.u32 v5, v13;
	v9 =	vld [tilespmem:s20+$0x1F0]  }
0x22f: {  	v21 =	vld [tilespmem:s19+$0xC0];
	v14 =	vor.u32 v5, v14  }
0x230: {  	v10 =	vld [tilespmem:s20+$0xFFFFFE30]  }
0x231: {  	v43 =	vld [tilespmem:s20+$0xFFFFFF30]  }
0x232: {  	v45 =	vld [tilespmem:s19+$0x1F0]  }
0x233: {  	[tilespmem:v13+s16+$0x0] =	vst.idx.add.f32.msk $0xffff, v20;
	v9 =	vshll.u32 v9, $0x7  }
0x234: {  	[tilespmem:v14+s16+$0x0] =	vst.idx.add.f32.msk $0xffff, v21;
	v9 =	vor.u32 v8, v9  }
0x235: {  	v13 =	vld [tilespmem:s20+$0x50]  }
0x236: {  	v14 =	vld [tilespmem:s20+$0xD0]  }
0x237: {  	v52 =	vld [tilespmem:s19+$0x130]  }
0x238: {  	v10 =	vshll.u32 v10, $0x7;
	v53 =	vld [tilespmem:s20+$0xFFFFFFC0]  }
0x239: {  	v12 =	vshll.u32 v43, $0x7;
	[tilespmem:v9+s16+$0x0] =	vst.idx.add.f32.msk $0xffff, v45;
	v9 =	vor.u32 v4, v10  }
0x23a: {  	v12 =	vor.u32 v4, v12;
	v13 =	vshll.u32 v13, $0x7;
	v10 =	vshll.u32 v11, $0x7;
	v11 =	vld [tilespmem:s19+$0xFFFFFF30]  }
0x23b: {  	v20 =	vld [tilespmem:s19+$0x50];
	v14 =	vshll.u32 v14, $0x7;
	v13 =	vor.u32 v6, v13  }
0x23c: {  	v21 =	vld [tilespmem:s19+$0xD0];
	v14 =	vor.u32 v6, v14  }
0x23d: {  	v60 =	vld [tilespmem:s19+$0xFFFFFFC0];
	v10 =	vor.u32 v4, v10  }
0x23e: {  	[tilespmem:v9+s16+$0x0] =	vst.idx.add.f32.msk $0xffff, v48  }
0x23f: {  	v17 =	vshll.u32 v47, $0x7;
	[tilespmem:v12+s16+$0x0] =	vst.idx.add.f32.msk $0xffff, v11  }
0x240: {  	v9 =	vor.u32 v4, v17;
	[tilespmem:v13+s16+$0x0] =	vst.idx.add.f32.msk $0xffff, v20  }
0x241: {  	[tilespmem:v14+s16+$0x0] =	vst.idx.add.f32.msk $0xffff, v21  }
0x242: {  	[tilespmem:v10+s16+$0x0] =	vst.idx.add.f32.msk $0xffff, v19  }
0x243: {  	v11 =	vld [tilespmem:s20+$0xFFFFFF40]  }
0x244: {  	v57 =	vld [tilespmem:s19+$0xFFFFFE40]  }
0x245: {  	[tilespmem:v9+s16+$0x0] =	vst.idx.add.f32.msk $0xffff, v52  }
0x246: {  	v9 =	vld [tilespmem:s20+$0xFFFFFE40]  }
0x247: {  	v59 =	vld [tilespmem:s19+$0xFFFFFF40]  }
0x248: {  	v13 =	vld [tilespmem:s20+$0x60]  }
0x249: {  	v14 =	vld [tilespmem:s20+$0xE0]  }
0x24a: {  	v12 =	vshll.u32 v53, $0x7;
	v20 =	vld [tilespmem:s19+$0x60]  }
0x24b: {  	v12 =	vor.u32 v5, v12;
	v56 =	vld [tilespmem:s20+$0x140];
	v9 =	vshll.u32 v9, $0x7  }
0x24c: {  	v21 =	vld [tilespmem:s19+$0xE0];
	v9 =	vor.u32 v5, v9  }
0x24d: {  	v10 =	vld [tilespmem:s20+$0xFFFFFEC0]  }
0x24e: {  	v58 =	vld [tilespmem:s19+$0xFFFFFEC0];
	v11 =	vshll.u32 v11, $0x7  }
0x24f: {  	v22 =	vld [tilespmem:s19+$0x140];
	v13 =	vshll.u32 v13, $0x7;
	v11 =	vor.u32 v5, v11  }
0x250: {  	[tilespmem:v12+s16+$0x0] =	vst.idx.add.f32.msk $0xffff, v60;
	v13 =	vor.u32 v7, v13;
	v15 =	vshll.u32 v56, $0x7  }
0x251: {  	[tilespmem:v9+s16+$0x0] =	vst.idx.add.f32.msk $0xffff, v57;
	v9 =	vor.u32 v5, v15  }
0x252: {  	v14 =	vshll.u32 v14, $0x7;
	v12 =	vld [tilespmem:s20+$0xFFFFFFD0]  }
0x253: {  	v10 =	vshll.u32 v10, $0x7;
	v19 =	vld [tilespmem:s19+$0xFFFFFFD0];
	v14 =	vor.u32 v7, v14  }
0x254: {  	v10 =	vor.u32 v5, v10;
	[tilespmem:v11+s16+$0x0] =	vst.idx.add.f32.msk $0xffff, v59  }
0x255: {  	[tilespmem:v13+s16+$0x0] =	vst.idx.add.f32.msk $0xffff, v20  }
0x256: {  	[tilespmem:v9+s16+$0x0] =	vst.idx.add.f32.msk $0xffff, v22  }
0x257: {  	v9 =	vld [tilespmem:s20+$0xFFFFFE50]  }
0x258: {  	[tilespmem:v14+s16+$0x0] =	vst.idx.add.f32.msk $0xffff, v21  }
0x259: {  	[tilespmem:v10+s16+$0x0] =	vst.idx.add.f32.msk $0xffff, v58  }
0x25a: {  	v11 =	vld [tilespmem:s20+$0xFFFFFF50]  }
0x25b: {  	v18 =	vld [tilespmem:s19+$0xFFFFFF50]  }
0x25c: {  	v61 =	vld [tilespmem:s20+$0x150];
	v9 =	vshll.u32 v9, $0x7  }
0x25d: {  	v16 =	vld [tilespmem:s19+$0xFFFFFE50];
	v9 =	vor.u32 v6, v9  }
0x25e: {  	v13 =	vld [tilespmem:s20+$0x70]  }
0x25f: {  	v14 =	vld [tilespmem:s20+$0xF0]  }
0x260: {  	v12 =	vshll.u32 v12, $0x7;
	v10 =	vld [tilespmem:s20+$0xFFFFFED0]  }
0x261: {  	v12 =	vor.u32 v6, v12;
	v22 =	vld [tilespmem:s19+$0x150];
	v15 =	vshll.u32 v61, $0x7  }
0x262: {  	[tilespmem:v9+s16+$0x0] =	vst.idx.add.f32.msk $0xffff, v16;
	v9 =	vor.u32 v6, v15  }
0x263: {  	v20 =	vld [tilespmem:s19+$0x70]  }
0x264: {  	v21 =	vld [tilespmem:s19+$0xF0]  }
0x265: {  	v17 =	vld [tilespmem:s19+$0xFFFFFED0];
	v11 =	vshll.u32 v11, $0x7  }
0x266: {  	[tilespmem:v12+s16+$0x0] =	vst.idx.add.f32.msk $0xffff, v19;
	v10 =	vshll.u32 v10, $0x7;
	v11 =	vor.u32 v6, v11  }
0x267: {  	v10 =	vor.u32 v6, v10;
	[tilespmem:v9+s16+$0x0] =	vst.idx.add.f32.msk $0xffff, v22  }
0x268: {  	v9 =	vld [tilespmem:s20+$0xFFFFFE60]  }
0x269: {  	v12 =	vld [tilespmem:s20+$0xFFFFFFE0]  }
0x26a: {  	v19 =	vld [tilespmem:s19+$0xFFFFFFE0]  }
0x26b: {  	v13 =	vshll.u32 v13, $0x7;
	[tilespmem:v11+s16+$0x0] =	vst.idx.add.f32.msk $0xffff, v18  }
0x26c: {  	v13 =	vor.u32 v8, v13;
	[tilespmem:v10+s16+$0x0] =	vst.idx.add.f32.msk $0xffff, v17  }
0x26d: {  	v62 =	vld [tilespmem:s20+$0x160];
	v9 =	vshll.u32 v9, $0x7  }
0x26e: {  	v16 =	vld [tilespmem:s19+$0xFFFFFE60];
	v9 =	vor.u32 v7, v9  }
0x26f: {  	v11 =	vld [tilespmem:s20+$0xFFFFFF60]  }
0x270: {  	v12 =	vshll.u32 v12, $0x7;
	v10 =	vld [tilespmem:s20+$0xFFFFFEE0]  }
0x271: {  	[tilespmem:v13+s16+$0x0] =	vst.idx.add.f32.msk $0xffff, v20;
	v12 =	vor.u32 v7, v12  }
0x272: {  	v22 =	vld [tilespmem:s19+$0x160];
	v15 =	vshll.u32 v62, $0x7  }
0x273: {  	[tilespmem:v9+s16+$0x0] =	vst.idx.add.f32.msk $0xffff, v16;
	v9 =	vor.u32 v7, v15  }
0x274: {  	v18 =	vld [tilespmem:s19+$0xFFFFFF60];
	v11 =	vshll.u32 v11, $0x7  }
0x275: {  	v17 =	vld [tilespmem:s19+$0xFFFFFEE0];
	v10 =	vshll.u32 v10, $0x7;
	v11 =	vor.u32 v7, v11  }
0x276: {  	[tilespmem:v12+s16+$0x0] =	vst.idx.add.f32.msk $0xffff, v19;
	v10 =	vor.u32 v7, v10  }
0x277: {  	v12 =	vld [tilespmem:s20+$0xFFFFFFF0]  }
0x278: {  	[tilespmem:v9+s16+$0x0] =	vst.idx.add.f32.msk $0xffff, v22  }
0x279: {  	v9 =	vld [tilespmem:s20+$0xFFFFFE70]  }
0x27a: {  	[tilespmem:v11+s16+$0x0] =	vst.idx.add.f32.msk $0xffff, v18  }
0x27b: {  	[tilespmem:v10+s16+$0x0] =	vst.idx.add.f32.msk $0xffff, v17  }
0x27c: {  	v11 =	vld [tilespmem:s20+$0xFFFFFF70]  }
0x27d: {  	v10 =	vld [tilespmem:s20+$0xFFFFFEF0]  }
0x27e: {  	v63 =	vld [tilespmem:s20+$0x170];
	v9 =	vshll.u32 v9, $0x7  }
0x27f: {  	v14 =	vshll.u32 v14, $0x7;
	v16 =	vld [tilespmem:s19+$0xFFFFFE70];
	v9 =	vor.u32 v8, v9  }
0x280: {  	v14 =	vor.u32 v8, v14;
	v19 =	vld [tilespmem:s19+$0xFFFFFFF0];
	v12 =	vshll.u32 v12, $0x7  }
0x281: {  	v18 =	vld [tilespmem:s19+$0xFFFFFF70];
	v12 =	vor.u32 v8, v12;
	v11 =	vshll.u32 v11, $0x7  }
0x282: {  	v17 =	vld [tilespmem:s19+$0xFFFFFEF0];
	v10 =	vshll.u32 v10, $0x7;
	v11 =	vor.u32 v8, v11  }
0x283: {  	v10 =	vor.u32 v8, v10;
	v22 =	vld [tilespmem:s19+$0x170];
	v15 =	vshll.u32 v63, $0x7  }
0x284: {  	[tilespmem:v9+s16+$0x0] =	vst.idx.add.f32.msk $0xffff, v16;
	v9 =	vor.u32 v8, v15  }
0x285: {  	[tilespmem:v14+s16+$0x0] =	vst.idx.add.f32.msk $0xffff, v21  }
0x286: {  	[tilespmem:v12+s16+$0x0] =	vst.idx.add.f32.msk $0xffff, v19  }
0x287: {  	[tilespmem:v11+s16+$0x0] =	vst.idx.add.f32.msk $0xffff, v18  }
0x288: {  	[tilespmem:v10+s16+$0x0] =	vst.idx.add.f32.msk $0xffff, v17  }
0x289: {  	s21 =	simm.s32 $0x7E00;
	s20 =	simm.s32 $0x0;
	[tilespmem:v9+s16+$0x0] =	vst.idx.add.f32.msk $0xffff, v22  }
.LBB2_9:
0x28a: {  	v9 =	vld [tilespmem:s21+$0x180];
	s20 =	sadd.s32 $0x8, s20  }
0x28b: {  	v10 =	vld [tilespmem:s21+$0xFFFFFE00];
	p1 =	slt.u32 s20, $0x48  }
0x28c: {  	v11 =	vld [tilespmem:s21+$0xFFFFFE80]  }
0x28d: {  	v12 =	vld [tilespmem:s21+$0xFFFFFF00]  }
0x28e: {  	v13 =	vld [tilespmem:s21+$0xFFFFFF80]  }
0x28f: {  	s19 =	sadd.s32 $0x400, s19;
	v14 =	vld [tilespmem:s21+$0x0];
	v9 =	vshll.u32 v9, $0x7  }
0x290: {  	v10 =	vshll.u32 v10, $0x7;
	v15 =	vld [tilespmem:s19+$0x180];
	v9 =	vor.u32 v0, v9  }
0x291: {  	v10 =	vor.u32 v0, v10;
	v11 =	vshll.u32 v11, $0x7;
	v16 =	vld [tilespmem:s21+$0x80]  }
0x292: {  	v11 =	vor.u32 v0, v11;
	v12 =	vshll.u32 v12, $0x7;
	v17 =	vld [tilespmem:s21+$0x100]  }
0x293: {  	v18 =	vld [tilespmem:s19+$0xFFFFFE80];
	v12 =	vor.u32 v0, v12;
	v13 =	vshll.u32 v13, $0x7  }
0x294: {  	v19 =	vld [tilespmem:s19+$0xFFFFFF00];
	v13 =	vor.u32 v0, v13;
	v14 =	vshll.u32 v14, $0x7  }
0x295: {  	v14 =	vor.u32 v0, v14;
	[tilespmem:v9+s16+$0x0] =	vst.idx.add.f32.msk $0xffff, v15  }
0x296: {  	v9 =	vshll.u32 v16, $0x7;
	v15 =	vld [tilespmem:s21+$0x190]  }
0x297: {  	v16 =	vld [tilespmem:s19+$0xFFFFFF80];
	v9 =	vor.u32 v0, v9;
	v17 =	vshll.u32 v17, $0x7  }
0x298: {  	v20 =	vld [tilespmem:s19+$0x0];
	v17 =	vor.u32 v0, v17  }
0x299: {  	v21 =	vld [tilespmem:s19+$0x80]  }
0x29a: {  	v22 =	vld [tilespmem:s19+$0x100]  }
0x29b: {  	v23 =	vld [tilespmem:s19+$0xFFFFFE00];
	v15 =	vshll.u32 v15, $0x7  }
0x29c: {  	v24 =	vld [tilespmem:s19+$0x190];
	v15 =	vor.u32 v2, v15  }
0x29d: {  	[tilespmem:v11+s16+$0x0] =	vst.idx.add.f32.msk $0xffff, v18  }
0x29e: {  	[tilespmem:v12+s16+$0x0] =	vst.idx.add.f32.msk $0xffff, v19  }
0x29f: {  	[tilespmem:v13+s16+$0x0] =	vst.idx.add.f32.msk $0xffff, v16  }
0x2a0: {  	[tilespmem:v10+s16+$0x0] =	vst.idx.add.f32.msk $0xffff, v23  }
0x2a1: {  	[tilespmem:v15+s16+$0x0] =	vst.idx.add.f32.msk $0xffff, v24  }
0x2a2: {  	v10 =	vld [tilespmem:s21+$0x1A0]  }
0x2a3: {  	[tilespmem:v14+s16+$0x0] =	vst.idx.add.f32.msk $0xffff, v20  }
0x2a4: {  	[tilespmem:v9+s16+$0x0] =	vst.idx.add.f32.msk $0xffff, v21  }
0x2a5: {  	[tilespmem:v17+s16+$0x0] =	vst.idx.add.f32.msk $0xffff, v22  }
0x2a6: {  	v9 =	vld [tilespmem:s21+$0xFFFFFE10]  }
0x2a7: {  	v11 =	vld [tilespmem:s21+$0xFFFFFE90];
	v10 =	vshll.u32 v10, $0x7  }
0x2a8: {  	v12 =	vld [tilespmem:s19+$0x1A0];
	v10 =	vor.u32 v3, v10  }
0x2a9: {  	v13 =	vld [tilespmem:s21+$0xFFFFFF10]  }
0x2aa: {  	v14 =	vld [tilespmem:s21+$0xFFFFFF90]  }
0x2ab: {  	v9 =	vshll.u32 v9, $0x7;
	v15 =	vld [tilespmem:s21+$0x10]  }
0x2ac: {  	v9 =	vor.u32 v2, v9;
	v11 =	vshll.u32 v11, $0x7;
	v16 =	vld [tilespmem:s21+$0x90]  }
0x2ad: {  	v11 =	vor.u32 v2, v11;
	[tilespmem:v10+s16+$0x0] =	vst.idx.add.f32.msk $0xffff, v12  }
0x2ae: {  	v10 =	vshll.u32 v13, $0x7;
	v12 =	vld [tilespmem:s21+$0x1B0]  }
0x2af: {  	v10 =	vor.u32 v2, v10;
	v13 =	vshll.u32 v14, $0x7;
	v14 =	vld [tilespmem:s21+$0x110]  }
0x2b0: {  	v17 =	vld [tilespmem:s19+$0xFFFFFE10];
	v13 =	vor.u32 v2, v13;
	v15 =	vshll.u32 v15, $0x7  }
0x2b1: {  	v18 =	vld [tilespmem:s19+$0xFFFFFE90];
	v15 =	vor.u32 v2, v15;
	v16 =	vshll.u32 v16, $0x7  }
0x2b2: {  	v19 =	vld [tilespmem:s19+$0xFFFFFF10];
	v16 =	vor.u32 v2, v16  }
0x2b3: {  	v20 =	vld [tilespmem:s19+$0xFFFFFF90];
	v12 =	vshll.u32 v12, $0x7  }
0x2b4: {  	v14 =	vshll.u32 v14, $0x7;
	v21 =	vld [tilespmem:s19+$0x1B0];
	v12 =	vor.u32 v4, v12  }
0x2b5: {  	v22 =	vld [tilespmem:s19+$0x10];
	v14 =	vor.u32 v2, v14  }
0x2b6: {  	v23 =	vld [tilespmem:s19+$0x90]  }
0x2b7: {  	v24 =	vld [tilespmem:s19+$0x110]  }
0x2b8: {  	[tilespmem:v9+s16+$0x0] =	vst.idx.add.f32.msk $0xffff, v17  }
0x2b9: {  	[tilespmem:v12+s16+$0x0] =	vst.idx.add.f32.msk $0xffff, v21  }
0x2ba: {  	v9 =	vld [tilespmem:s21+$0x1C0]  }
0x2bb: {  	[tilespmem:v11+s16+$0x0] =	vst.idx.add.f32.msk $0xffff, v18  }
0x2bc: {  	[tilespmem:v10+s16+$0x0] =	vst.idx.add.f32.msk $0xffff, v19  }
0x2bd: {  	[tilespmem:v13+s16+$0x0] =	vst.idx.add.f32.msk $0xffff, v20  }
0x2be: {  	[tilespmem:v15+s16+$0x0] =	vst.idx.add.f32.msk $0xffff, v22  }
0x2bf: {  	[tilespmem:v16+s16+$0x0] =	vst.idx.add.f32.msk $0xffff, v23;
	v9 =	vshll.u32 v9, $0x7  }
0x2c0: {  	v10 =	vld [tilespmem:s19+$0x1C0];
	v9 =	vor.u32 v5, v9  }
0x2c1: {  	[tilespmem:v14+s16+$0x0] =	vst.idx.add.f32.msk $0xffff, v24  }
0x2c2: {  	v11 =	vld [tilespmem:s21+$0xFFFFFE20]  }
0x2c3: {  	v12 =	vld [tilespmem:s21+$0xFFFFFEA0]  }
0x2c4: {  	v13 =	vld [tilespmem:s21+$0xFFFFFF20]  }
0x2c5: {  	[tilespmem:v9+s16+$0x0] =	vst.idx.add.f32.msk $0xffff, v10  }
0x2c6: {  	v9 =	vld [tilespmem:s21+$0x1D0]  }
0x2c7: {  	v10 =	vshll.u32 v11, $0x7;
	v11 =	vld [tilespmem:s21+$0xFFFFFFA0]  }
0x2c8: {  	v10 =	vor.u32 v3, v10;
	v12 =	vshll.u32 v12, $0x7;
	v14 =	vld [tilespmem:s21+$0x20]  }
0x2c9: {  	v12 =	vor.u32 v3, v12;
	v13 =	vshll.u32 v13, $0x7;
	v15 =	vld [tilespmem:s21+$0xA0]  }
0x2ca: {  	v13 =	vor.u32 v3, v13;
	v16 =	vld [tilespmem:s21+$0x120]  }
0x2cb: {  	v17 =	vld [tilespmem:s19+$0xFFFFFE20];
	v9 =	vshll.u32 v9, $0x7  }
0x2cc: {  	v11 =	vshll.u32 v11, $0x7;
	v18 =	vld [tilespmem:s19+$0x1D0];
	v9 =	vor.u32 v6, v9  }
0x2cd: {  	v19 =	vld [tilespmem:s19+$0xFFFFFEA0];
	v11 =	vor.u32 v3, v11;
	v14 =	vshll.u32 v14, $0x7  }
0x2ce: {  	v20 =	vld [tilespmem:s19+$0xFFFFFF20];
	v14 =	vor.u32 v3, v14;
	v15 =	vshll.u32 v15, $0x7  }
0x2cf: {  	v21 =	vld [tilespmem:s19+$0xFFFFFFA0];
	v15 =	vor.u32 v3, v15;
	v16 =	vshll.u32 v16, $0x7  }
0x2d0: {  	v22 =	vld [tilespmem:s19+$0x20];
	v16 =	vor.u32 v3, v16  }
0x2d1: {  	[tilespmem:v9+s16+$0x0] =	vst.idx.add.f32.msk $0xffff, v18  }
0x2d2: {  	v9 =	vld [tilespmem:s21+$0x1E0]  }
0x2d3: {  	v18 =	vld [tilespmem:s19+$0xA0]  }
0x2d4: {  	v23 =	vld [tilespmem:s19+$0x120]  }
0x2d5: {  	[tilespmem:v10+s16+$0x0] =	vst.idx.add.f32.msk $0xffff, v17  }
0x2d6: {  	[tilespmem:v12+s16+$0x0] =	vst.idx.add.f32.msk $0xffff, v19  }
0x2d7: {  	[tilespmem:v13+s16+$0x0] =	vst.idx.add.f32.msk $0xffff, v20;
	v9 =	vshll.u32 v9, $0x7  }
0x2d8: {  	v10 =	vld [tilespmem:s19+$0x1E0];
	v9 =	vor.u32 v7, v9  }
0x2d9: {  	[tilespmem:v11+s16+$0x0] =	vst.idx.add.f32.msk $0xffff, v21  }
0x2da: {  	[tilespmem:v14+s16+$0x0] =	vst.idx.add.f32.msk $0xffff, v22  }
0x2db: {  	[tilespmem:v15+s16+$0x0] =	vst.idx.add.f32.msk $0xffff, v18  }
0x2dc: {  	[tilespmem:v16+s16+$0x0] =	vst.idx.add.f32.msk $0xffff, v23  }
0x2dd: {  	[tilespmem:v9+s16+$0x0] =	vst.idx.add.f32.msk $0xffff, v10  }
0x2de: {  	v9 =	vld [tilespmem:s21+$0x1F0]  }
0x2df: {  	v10 =	vld [tilespmem:s21+$0xFFFFFE30]  }
0x2e0: {  	v11 =	vld [tilespmem:s21+$0xFFFFFEB0]  }
0x2e1: {  	v12 =	vld [tilespmem:s21+$0xFFFFFF30]  }
0x2e2: {  	v13 =	vld [tilespmem:s21+$0xFFFFFFB0]  }
0x2e3: {  	v14 =	vld [tilespmem:s21+$0x30];
	v9 =	vshll.u32 v9, $0x7  }
0x2e4: {  	v10 =	vshll.u32 v10, $0x7;
	v15 =	vld [tilespmem:s19+$0x1F0];
	v9 =	vor.u32 v8, v9  }
0x2e5: {  	v10 =	vor.u32 v4, v10;
	v11 =	vshll.u32 v11, $0x7;
	v16 =	vld [tilespmem:s21+$0xB0]  }
0x2e6: {  	v11 =	vor.u32 v4, v11;
	v12 =	vshll.u32 v12, $0x7;
	v17 =	vld [tilespmem:s21+$0x130]  }
0x2e7: {  	v18 =	vld [tilespmem:s19+$0xFFFFFE30];
	v12 =	vor.u32 v4, v12;
	v13 =	vshll.u32 v13, $0x7  }
0x2e8: {  	v19 =	vld [tilespmem:s19+$0xFFFFFEB0];
	v13 =	vor.u32 v4, v13;
	v14 =	vshll.u32 v14, $0x7  }
0x2e9: {  	v14 =	vor.u32 v4, v14;
	[tilespmem:v9+s16+$0x0] =	vst.idx.add.f32.msk $0xffff, v15  }
0x2ea: {  	v9 =	vld [tilespmem:s19+$0xFFFFFF30];
	v15 =	vshll.u32 v16, $0x7  }
0x2eb: {  	v16 =	vld [tilespmem:s19+$0xFFFFFFB0];
	v15 =	vor.u32 v4, v15;
	v17 =	vshll.u32 v17, $0x7  }
0x2ec: {  	v20 =	vld [tilespmem:s19+$0x30];
	v17 =	vor.u32 v4, v17  }
0x2ed: {  	v21 =	vld [tilespmem:s19+$0xB0]  }
0x2ee: {  	v22 =	vld [tilespmem:s19+$0x130]  }
0x2ef: {  	[tilespmem:v10+s16+$0x0] =	vst.idx.add.f32.msk $0xffff, v18  }
0x2f0: {  	[tilespmem:v11+s16+$0x0] =	vst.idx.add.f32.msk $0xffff, v19  }
0x2f1: {  	[tilespmem:v12+s16+$0x0] =	vst.idx.add.f32.msk $0xffff, v9  }
0x2f2: {  	[tilespmem:v13+s16+$0x0] =	vst.idx.add.f32.msk $0xffff, v16  }
0x2f3: {  	[tilespmem:v14+s16+$0x0] =	vst.idx.add.f32.msk $0xffff, v20  }
0x2f4: {  	[tilespmem:v15+s16+$0x0] =	vst.idx.add.f32.msk $0xffff, v21  }
0x2f5: {  	[tilespmem:v17+s16+$0x0] =	vst.idx.add.f32.msk $0xffff, v22  }
0x2f6: {  	v9 =	vld [tilespmem:s21+$0xFFFFFE40]  }
0x2f7: {  	v10 =	vld [tilespmem:s21+$0xFFFFFEC0]  }
0x2f8: {  	v11 =	vld [tilespmem:s21+$0xFFFFFF40]  }
0x2f9: {  	v12 =	vld [tilespmem:s21+$0xFFFFFFC0]  }
0x2fa: {  	v13 =	vld [tilespmem:s21+$0x40]  }
0x2fb: {  	v9 =	vshll.u32 v9, $0x7;
	v14 =	vld [tilespmem:s21+$0xC0]  }
0x2fc: {  	v9 =	vor.u32 v5, v9;
	v10 =	vshll.u32 v10, $0x7;
	v15 =	vld [tilespmem:s21+$0x140]  }
0x2fd: {  	v16 =	vld [tilespmem:s19+$0xFFFFFE40];
	v10 =	vor.u32 v5, v10;
	v11 =	vshll.u32 v11, $0x7  }
0x2fe: {  	v17 =	vld [tilespmem:s19+$0xFFFFFEC0];
	v11 =	vor.u32 v5, v11;
	v12 =	vshll.u32 v12, $0x7  }
0x2ff: {  	v18 =	vld [tilespmem:s19+$0xFFFFFF40];
	v12 =	vor.u32 v5, v12;
	v13 =	vshll.u32 v13, $0x7  }
0x300: {  	v19 =	vld [tilespmem:s19+$0xFFFFFFC0];
	v13 =	vor.u32 v5, v13;
	v14 =	vshll.u32 v14, $0x7  }
0x301: {  	v20 =	vld [tilespmem:s19+$0x40];
	v14 =	vor.u32 v5, v14;
	v15 =	vshll.u32 v15, $0x7  }
0x302: {  	v21 =	vld [tilespmem:s19+$0xC0];
	v15 =	vor.u32 v5, v15  }
0x303: {  	v22 =	vld [tilespmem:s19+$0x140]  }
0x304: {  	[tilespmem:v9+s16+$0x0] =	vst.idx.add.f32.msk $0xffff, v16  }
0x305: {  	[tilespmem:v10+s16+$0x0] =	vst.idx.add.f32.msk $0xffff, v17  }
0x306: {  	[tilespmem:v11+s16+$0x0] =	vst.idx.add.f32.msk $0xffff, v18  }
0x307: {  	[tilespmem:v12+s16+$0x0] =	vst.idx.add.f32.msk $0xffff, v19  }
0x308: {  	[tilespmem:v13+s16+$0x0] =	vst.idx.add.f32.msk $0xffff, v20  }
0x309: {  	[tilespmem:v14+s16+$0x0] =	vst.idx.add.f32.msk $0xffff, v21  }
0x30a: {  	[tilespmem:v15+s16+$0x0] =	vst.idx.add.f32.msk $0xffff, v22  }
0x30b: {  	v9 =	vld [tilespmem:s21+$0xFFFFFE50]  }
0x30c: {  	v10 =	vld [tilespmem:s21+$0xFFFFFED0]  }
0x30d: {  	v11 =	vld [tilespmem:s21+$0xFFFFFF50]  }
0x30e: {  	v12 =	vld [tilespmem:s21+$0xFFFFFFD0]  }
0x30f: {  	v13 =	vld [tilespmem:s21+$0x50]  }
0x310: {  	v9 =	vshll.u32 v9, $0x7;
	v14 =	vld [tilespmem:s21+$0xD0]  }
0x311: {  	v9 =	vor.u32 v6, v9;
	v10 =	vshll.u32 v10, $0x7;
	v15 =	vld [tilespmem:s21+$0x150]  }
0x312: {  	v16 =	vld [tilespmem:s19+$0xFFFFFE50];
	v10 =	vor.u32 v6, v10;
	v11 =	vshll.u32 v11, $0x7  }
0x313: {  	v17 =	vld [tilespmem:s19+$0xFFFFFED0];
	v11 =	vor.u32 v6, v11;
	v12 =	vshll.u32 v12, $0x7  }
0x314: {  	v18 =	vld [tilespmem:s19+$0xFFFFFF50];
	v12 =	vor.u32 v6, v12;
	v13 =	vshll.u32 v13, $0x7  }
0x315: {  	v19 =	vld [tilespmem:s19+$0xFFFFFFD0];
	v13 =	vor.u32 v6, v13;
	v14 =	vshll.u32 v14, $0x7  }
0x316: {  	v20 =	vld [tilespmem:s19+$0x50];
	v14 =	vor.u32 v6, v14;
	v15 =	vshll.u32 v15, $0x7  }
0x317: {  	v21 =	vld [tilespmem:s19+$0xD0];
	v15 =	vor.u32 v6, v15  }
0x318: {  	v22 =	vld [tilespmem:s19+$0x150]  }
0x319: {  	[tilespmem:v9+s16+$0x0] =	vst.idx.add.f32.msk $0xffff, v16  }
0x31a: {  	[tilespmem:v10+s16+$0x0] =	vst.idx.add.f32.msk $0xffff, v17  }
0x31b: {  	[tilespmem:v11+s16+$0x0] =	vst.idx.add.f32.msk $0xffff, v18  }
0x31c: {  	[tilespmem:v12+s16+$0x0] =	vst.idx.add.f32.msk $0xffff, v19  }
0x31d: {  	[tilespmem:v13+s16+$0x0] =	vst.idx.add.f32.msk $0xffff, v20  }
0x31e: {  	[tilespmem:v14+s16+$0x0] =	vst.idx.add.f32.msk $0xffff, v21  }
0x31f: {  	[tilespmem:v15+s16+$0x0] =	vst.idx.add.f32.msk $0xffff, v22  }
0x320: {  	v9 =	vld [tilespmem:s21+$0xFFFFFE60]  }
0x321: {  	v10 =	vld [tilespmem:s21+$0xFFFFFEE0]  }
0x322: {  	v11 =	vld [tilespmem:s21+$0xFFFFFF60]  }
0x323: {  	v12 =	vld [tilespmem:s21+$0xFFFFFFE0]  }
0x324: {  	v13 =	vld [tilespmem:s21+$0x60]  }
0x325: {  	v9 =	vshll.u32 v9, $0x7;
	v14 =	vld [tilespmem:s21+$0xE0]  }
0x326: {  	v9 =	vor.u32 v7, v9;
	v10 =	vshll.u32 v10, $0x7;
	v15 =	vld [tilespmem:s21+$0x160]  }
0x327: {  	v16 =	vld [tilespmem:s19+$0xFFFFFE60];
	v10 =	vor.u32 v7, v10;
	v11 =	vshll.u32 v11, $0x7  }
0x328: {  	v17 =	vld [tilespmem:s19+$0xFFFFFEE0];
	v11 =	vor.u32 v7, v11;
	v12 =	vshll.u32 v12, $0x7  }
0x329: {  	v18 =	vld [tilespmem:s19+$0xFFFFFF60];
	v12 =	vor.u32 v7, v12;
	v13 =	vshll.u32 v13, $0x7  }
0x32a: {  	v19 =	vld [tilespmem:s19+$0xFFFFFFE0];
	v13 =	vor.u32 v7, v13;
	v14 =	vshll.u32 v14, $0x7  }
0x32b: {  	v20 =	vld [tilespmem:s19+$0x60];
	v14 =	vor.u32 v7, v14;
	v15 =	vshll.u32 v15, $0x7  }
0x32c: {  	v21 =	vld [tilespmem:s19+$0xE0];
	v15 =	vor.u32 v7, v15  }
0x32d: {  	v22 =	vld [tilespmem:s19+$0x160]  }
0x32e: {  	[tilespmem:v9+s16+$0x0] =	vst.idx.add.f32.msk $0xffff, v16  }
0x32f: {  	[tilespmem:v10+s16+$0x0] =	vst.idx.add.f32.msk $0xffff, v17  }
0x330: {  	[tilespmem:v11+s16+$0x0] =	vst.idx.add.f32.msk $0xffff, v18  }
0x331: {  	[tilespmem:v12+s16+$0x0] =	vst.idx.add.f32.msk $0xffff, v19  }
0x332: {  	[tilespmem:v13+s16+$0x0] =	vst.idx.add.f32.msk $0xffff, v20  }
0x333: {  	[tilespmem:v14+s16+$0x0] =	vst.idx.add.f32.msk $0xffff, v21  }
0x334: {  	[tilespmem:v15+s16+$0x0] =	vst.idx.add.f32.msk $0xffff, v22  }
0x335: {  	v9 =	vld [tilespmem:s21+$0xFFFFFE70]  }
0x336: {  	v10 =	vld [tilespmem:s21+$0xFFFFFEF0]  }
0x337: {  	v11 =	vld [tilespmem:s21+$0xFFFFFF70]  }
0x338: {  	v12 =	vld [tilespmem:s21+$0xFFFFFFF0]  }
0x339: {  	v13 =	vld [tilespmem:s21+$0x70]  }
0x33a: {  	v9 =	vshll.u32 v9, $0x7;
	v14 =	vld [tilespmem:s21+$0xF0]  }
0x33b: {  	v9 =	vor.u32 v8, v9;
	v10 =	vshll.u32 v10, $0x7;
	v15 =	vld [tilespmem:s21+$0x170]  }
0x33c: {  	v16 =	vld [tilespmem:s19+$0xFFFFFE70];
	v10 =	vor.u32 v8, v10;
	v11 =	vshll.u32 v11, $0x7  }
0x33d: {  	v17 =	vld [tilespmem:s19+$0xFFFFFEF0];
	v11 =	vor.u32 v8, v11;
	v12 =	vshll.u32 v12, $0x7  }
0x33e: {  	v18 =	vld [tilespmem:s19+$0xFFFFFF70];
	v12 =	vor.u32 v8, v12;
	v13 =	vshll.u32 v13, $0x7  }
0x33f: {  	v19 =	vld [tilespmem:s19+$0xFFFFFFF0];
	v13 =	vor.u32 v8, v13;
	v14 =	vshll.u32 v14, $0x7  }
0x340: {  	v20 =	vld [tilespmem:s19+$0x70];
	v14 =	vor.u32 v8, v14;
	v15 =	vshll.u32 v15, $0x7  }
0x341: {  	v21 =	vld [tilespmem:s19+$0xF0];
	v15 =	vor.u32 v8, v15  }
0x342: {  	v22 =	vld [tilespmem:s19+$0x170]  }
0x343: {  	[tilespmem:v9+s16+$0x0] =	vst.idx.add.f32.msk $0xffff, v16  }
0x344: {  	[tilespmem:v10+s16+$0x0] =	vst.idx.add.f32.msk $0xffff, v17  }
.Ltmp6:
0x345: {  	[tilespmem:v11+s16+$0x0] =	vst.idx.add.f32.msk $0xffff, v18;
	(pc) =	sbr.rel @p1 .LBB2_9-.Ltmp6, $4  }
0x346: {  	[tilespmem:v12+s16+$0x0] =	vst.idx.add.f32.msk $0xffff, v19  }
0x347: {  	[tilespmem:v13+s16+$0x0] =	vst.idx.add.f32.msk $0xffff, v20  }
0x348: {  	[tilespmem:v14+s16+$0x0] =	vst.idx.add.f32.msk $0xffff, v21  }
0x349: {  	s21 =	sadd.s32 $0x400, s21;
	[tilespmem:v15+s16+$0x0] =	vst.idx.add.f32.msk $0xffff, v22  }
.Ltmp7:
0x34a: {  	_ = 	snop;
	(pc) =	sbr.rel .LBB2_10-.Ltmp7, $1  }
0x34b: {  	_ =	sdelay $0x3  }
.LBB2_11:
0x34c: {  	_ =	sfence.sel $0x180000  }
0x34d: {  	[bflag:$0x0] =	sbarrier.arrive $0xFFFF  }
0x34e: {  	p0 =	sne.s32 s2, $0x0;
	_ =	strace $0x90000047  }
0x34f: {  	s0 =	sadd.s32 @!p0 $0x100000, s0;
	[bflag:$0x2] =	sbarrier.arrive $0xFFFF  }
0x350: {  	[sflag:s0] =	ssyncadd.tile.s32 @!p0 $0x1;
	_ =	shalt  }
.Lfunc_end2:
_tile_overlayer_lowered:
.L_overlay_start_2:
0x351: {  	(tag) =	ssettag $0x2  }
0x352: {  	s0 =	rddreg [dreg:$0x0];
	s2 =	stileid.u32  }
0x353: {  	s1 =	rddreg [dreg:$0x1];
	p0 =	sne.s32 s2, $0x0  }
0x354: {  	s3 =	rddreg [dreg:$0x2];
	[bflag:$0x3] =	sbarrier.arrive $0xFFFF;
	s2 =	simm.s32 @!p0 $0x1C03  }
0x355: {  	[timem:s3], [sflag:s2] =	dma.local @!p0 [hbm:s0], s1  }
0x356: {  	s0 =	simm.s32 @!p0 $0x3  }
0x357: {  	_ =	swait.ge @!p0 [sflag:s0], s1  }
0x358: {  	s1 =	ssub.s32 @!p0 $0x0, s1;
	[sflag:s0] =	ssyncset.done @!p0 $0x0  }
0x359: {  	[sflag:s0] =	ssyncadd.s32 @!p0 s1  }
0x35a: {  	[bflag:$0x3] =	sbarrier.arrive $0xFFFF  }
0x35b: {  	_ =	shalt  }

</sc_bundles>
